<compile_context>
chip_gen: v7x
topology: tpu7x:2x2x1
jax: 0.10.2.dev20260603
libtpu: 0.0.44.dev20260713+nightly
codegen_flags: <defaults>
</compile_context>

<pallas_src>
import numpy as np
import jax
import jax.numpy as jnp
from jax import lax
from jax.experimental import pallas as pl
from jax.experimental.pallas import tpu as pltpu
from jax.experimental.pallas import tpu_sc as plsc

_R = 256
_NW = 32
_N = 262144
_RPW = _N // _NW

_INV_PIO2 = float(2.0 / np.pi)
_PIO2_HI = float(np.float32(np.round(np.pi / 2 * 2.0**17) / 2.0**17))
_rem = np.pi / 2 - _PIO2_HI
_PIO2_MID = float(np.float32(_rem))
_PIO2_LO = float(np.float32(_rem - float(np.float32(_rem))))


def _sincos16(t):
    u = t * _INV_PIO2
    sgn = lax.bitcast_convert_type(u, jnp.int32) & jnp.int32(-2147483648)
    half = lax.bitcast_convert_type(sgn | jnp.int32(1056964608), jnp.float32)
    mi = (u + half).astype(jnp.int32)
    m = mi.astype(jnp.float32)
    r = t - m * _PIO2_HI
    r = r - m * _PIO2_MID
    r = r - m * _PIO2_LO
    r2 = r * r
    sp = r * (1.0 + r2 * (-0.16666654611587524 + r2 * (0.008332160767167807 + r2 * (-0.00019515295891841408))))
    cp = 1.0 + r2 * (-0.5 + r2 * (0.04166664555668831 + r2 * (-0.0013887310633435845 + r2 * 2.476048860093673e-05)))
    qb0 = (mi & 1) == 1
    s_unsigned = jnp.where(qb0, cp, sp)
    c_unsigned = jnp.where(qb0, sp, cp)
    s_flip = jnp.left_shift(mi & 2, 30)
    c_flip = jnp.left_shift((mi + 1) & 2, 30)
    s = lax.bitcast_convert_type(lax.bitcast_convert_type(s_unsigned, jnp.int32) ^ s_flip, jnp.float32)
    c = lax.bitcast_convert_type(lax.bitcast_convert_type(c_unsigned, jnp.int32) ^ c_flip, jnp.float32)
    return s, c


def _sc_call(embedded, t_dirs, embedcam_table, camidx_arr):
    table_pad = jnp.pad(embedcam_table, ((0, 0), (0, 112)))
    mesh = plsc.VectorSubcoreMesh(core_axis_name="c", subcore_axis_name="s")

    def body(emb_hbm, dirs_hbm, table_hbm, cidx_hbm, out_hbm,
             emb_v, dirs_v, out_v, idx_v, cam_v, sem):
        wid = lax.axis_index("s") * 2 + lax.axis_index("c")
        wbase = wid * _RPW
        lane = lax.iota(jnp.int32, 16)
        pltpu.sync_copy(cidx_hbm, idx_v)
        pltpu.async_copy(table_hbm.at[idx_v], cam_v, sem).wait()
        cam = cam_v[0, pl.ds(0, 16)]

        def chunk(ci, carry):
            base = wbase + ci * _R
            rsl = pl.ds(base, _R)
            pltpu.sync_copy(dirs_hbm.at[rsl], dirs_v)
            pltpu.sync_copy(emb_hbm.at[rsl], emb_v)

            def group(g, carry2):
                rows = lane + g * 16
                for c in range(3):
                    xc = plsc.load_gather(dirs_v, [rows, jnp.broadcast_to(jnp.int32(c), (16,))])
                    plsc.store_scatter(out_v, [rows, jnp.broadcast_to(jnp.int32(63 + c), (16,))], xc)
                    s, co = _sincos16(xc)
                    for k in range(4):
                        if k > 0:
                            s, co = 2.0 * s * co, 1.0 - 2.0 * s * s
                        plsc.store_scatter(out_v, [rows, jnp.broadcast_to(jnp.int32(66 + 6 * k + c), (16,))], s)
                        plsc.store_scatter(out_v, [rows, jnp.broadcast_to(jnp.int32(69 + 6 * k + c), (16,))], co)
                return carry2

            lax.fori_loop(0, _R // 16, group, 0)

            def row(r, carry3):
                for o in (0, 16, 32, 47):
                    out_v[r, pl.ds(o, 16)] = emb_v[r, pl.ds(o, 16)]
                out_v[r, pl.ds(90, 16)] = cam
                return carry3

            lax.fori_loop(0, _R, row, 0)
            pltpu.sync_copy(out_v, out_hbm.at[rsl])
            return carry

        lax.fori_loop(0, _RPW // _R, chunk, 0)

    f = pl.kernel(
        body,
        out_type=jax.ShapeDtypeStruct((_N, 106), jnp.float32),
        mesh=mesh,
        compiler_params=pltpu.CompilerParams(
            use_tc_tiling_on_sc=True, needs_layout_passes=False),
        scratch_types=[
            pltpu.VMEM((_R, 63), jnp.float32),
            pltpu.VMEM((_R, 3), jnp.float32),
            pltpu.VMEM((_R, 106), jnp.float32),
            pltpu.VMEM((8,), jnp.int32),
            pltpu.VMEM((8, 128), jnp.float32),
            pltpu.SemaphoreType.DMA,
        ],
    )
    return f(embedded, t_dirs, table_pad, camidx_arr)


def kernel(embedded, t_dirs, embedcam_table, camera_idx):
    camidx_arr = jnp.full((8,), camera_idx, dtype=jnp.int32)
    return _sc_call(embedded, t_dirs, embedcam_table, camidx_arr)

# --- scband reference (transcript-rebuilt; emitter-appended) ---
"""Pipeline reference for scband-radiance-field-base-11003706213033 (READ-ONLY COPY).

The authoritative reference and input builder live on the scoring server;
editing this copy changes nothing except your own understanding.
"""

import jax, jax.numpy as jnp
import numpy as np

MULTIRES_VIEWS = 4

def embeddirs_fn(x):
    # NeRF positional encoding: [x, sin(2^0 x), cos(2^0 x), ..., sin(2^(L-1) x), cos(2^(L-1) x)]
    freq_bands = 2.0 ** jnp.arange(MULTIRES_VIEWS, dtype=jnp.float32)
    outs = [x]
    for i in range(MULTIRES_VIEWS):
        f = freq_bands[i]
        outs.append(jnp.sin(x * f))
        outs.append(jnp.cos(x * f))
    return jnp.concatenate(outs, axis=-1)

def setup_inputs(seed: int = 0) -> dict:
    key = jax.random.key(seed)
    k1, k2, k3 = jax.random.split(key, 3)
    N = 262144
    embedded = jax.random.normal(k1, (N, 63), dtype=jnp.float32)
    t_dirs = jax.random.normal(k2, (N, 3), dtype=jnp.float32)
    embedcam_table = jax.random.normal(k3, (1000, 16), dtype=jnp.float32) * 0.01
    camera_idx = 5
    return {"embedded": embedded, "t_dirs": t_dirs, "embedcam_table": embedcam_table, "camera_idx": camera_idx}

def reference(embedded, t_dirs, embedcam_table, camera_idx):
    # set_camera_idx: single-row embedding lookup
    embedded_cam = jnp.take(embedcam_table, camera_idx, axis=0)
    # embed_cam_and_dirs
    embedded_dirs = embeddirs_fn(t_dirs)
    cam_b = jnp.broadcast_to(embedded_cam[None, :], (embedded_dirs.shape[0], embedded_cam.shape[0]))
    out = jnp.concatenate([embedded, embedded_dirs, cam_b], axis=-1)
    return out

if __name__ == "__main__":
    import jax
    _d = setup_inputs()
    print(jax.jit(kernel)(*tuple(_d.values())))

</pallas_src>

<mosaic_0001>
#map = affine_map<(d0, d1) -> (0, 0)>
#map1 = affine_map<(d0, d1) -> (0)>
module attributes {stable_mosaic.version = 14 : i64} {
  func.func @body(%arg0: i32, %arg1: i32, %arg2: memref<262144x63xf32, #tpu.memory_space<hbm>>, %arg3: memref<262144x3xf32, #tpu.memory_space<hbm>>, %arg4: memref<1000x128xf32, #tpu.memory_space<hbm>>, %arg5: memref<8xi32, #tpu.memory_space<hbm>>, %arg6: memref<262144x106xf32, #tpu.memory_space<hbm>>, %arg7: memref<256x63xf32, #tpu.memory_space<vmem>>, %arg8: memref<256x3xf32, #tpu.memory_space<vmem>>, %arg9: memref<256x106xf32, #tpu.memory_space<vmem>>, %arg10: memref<8xi32, #tpu.memory_space<vmem>>, %arg11: memref<8x128xf32, #tpu.memory_space<vmem>>, %arg12: memref<!tpu.dma_semaphore, #tpu.memory_space<semaphore_mem>>) attributes {dimension_semantics = [#tpu.dimension_semantics<core_parallel>, #tpu.dimension_semantics<subcore_parallel>], iteration_bounds = array<i64: 2, 16>, scalar_prefetch = 0 : i64, scratch_operands = 6 : i64, tpu.core_type = #tpu.core_type<sc_vector_subcore>, window_params = [{transform_indices = #map}, {transform_indices = #map}, {transform_indices = #map}, {transform_indices = #map1}, {transform_indices = #map}]} {
    %mul3A = arith.constant 2 : i32
    %mul3A_0 = arith.muli %arg1, %mul3A : i32
    %add3A = arith.addi %mul3A_0, %arg0 : i32
    %mul3A_1 = arith.constant 8192 : i32
    %mul3A_2 = arith.muli %add3A, %mul3A_1 : i32
    %iota3A = tpu.iota {dimensions = array<i32: 0>} : vector<16xi32>
    "tpu.region"() ({
      %run_scoped3A = tpu.sem_alloc : memref<!tpu.dma_semaphore, #tpu.memory_space<semaphore_mem>>
      tpu.enqueue_dma source(%arg5 : memref<8xi32, #tpu.memory_space<hbm>>) target(%arg10 : memref<8xi32, #tpu.memory_space<vmem>>) target_semaphore(%run_scoped3A : memref<!tpu.dma_semaphore, #tpu.memory_space<semaphore_mem>>)
      tpu.wait_dma2 semaphore(%run_scoped3A : memref<!tpu.dma_semaphore, #tpu.memory_space<semaphore_mem>>) src(%arg5 : memref<8xi32, #tpu.memory_space<hbm>>) dst(%arg10 : memref<8xi32, #tpu.memory_space<vmem>>)
      tpu.yield
    }) : () -> ()
    %dma_start3A = arith.constant 0 : i32
    %dma_start3A_3 = arith.constant 0 : i32
    %dma_start3A_4 = tpu.memref_slice %arg4[%dma_start3A, %dma_start3A_3] : memref<1000x128xf32, #tpu.memory_space<hbm>> -> memref<1000x128xf32, #tpu.memory_space<hbm>>
    tpu.enqueue_indirect_dma source(%dma_start3A_4 : memref<1000x128xf32, #tpu.memory_space<hbm>>) target(%arg11 : memref<8x128xf32, #tpu.memory_space<vmem>>) offsets(%arg10 : memref<8xi32, #tpu.memory_space<vmem>>) semaphore(%arg12 : memref<!tpu.dma_semaphore, #tpu.memory_space<semaphore_mem>>)
    %dma_wait3A = arith.constant 0 : i32
    %dma_wait3A_5 = arith.constant 0 : i32
    %dma_wait3A_6 = tpu.memref_slice %arg4[%dma_wait3A, %dma_wait3A_5] : memref<1000x128xf32, #tpu.memory_space<hbm>> -> memref<1000x128xf32, #tpu.memory_space<hbm>>
    tpu.wait_indirect_dma semaphore(%arg12 : memref<!tpu.dma_semaphore, #tpu.memory_space<semaphore_mem>>) src(%dma_wait3A_6 : memref<1000x128xf32, #tpu.memory_space<hbm>>) dst(%arg11 : memref<8x128xf32, #tpu.memory_space<vmem>>)
    %get3A = arith.constant 0 : i32
    %get3A_7 = arith.index_cast %get3A : i32 to index
    %get3A_8 = arith.constant 0 : index
    %get3A_9 = tpu.vector_load %arg11[%get3A_7, %get3A_8] {strides = array<i32>} : memref<8x128xf32, #tpu.memory_space<vmem>>, vector<16xf32>,
    %scan3A = arith.constant 0 : i32
    %scan3A_10 = arith.constant 0 : i32
    %scan3A_11 = arith.constant 32 : i32
    %scan3A_12 = arith.addi %scan3A_10, %scan3A_11 : i32
    %scan3A_13 = arith.constant 1 : i32
    scf.for %scan3A_15 = %scan3A_10 to %scan3A_12 step %scan3A_13  : i32 {
      %mul3A_16 = arith.constant 256 : i32
      %mul3A_17 = arith.muli %scan3A_15, %mul3A_16 : i32
      %add3A_18 = arith.addi %mul3A_2, %mul3A_17 : i32
      "tpu.region"() ({
        %run_scoped3A = tpu.sem_alloc : memref<!tpu.dma_semaphore, #tpu.memory_space<semaphore_mem>>
        %dma_start3A_31 = arith.constant 0 : i32
        %dma_start3A_32 = tpu.memref_slice %arg3[%add3A_18, %dma_start3A_31] : memref<262144x3xf32, #tpu.memory_space<hbm>> -> memref<256x3xf32, #tpu.memory_space<hbm>>
        %dma_start3A_33 = arith.constant 0 : i32
        %dma_start3A_34 = tpu.memref_slice %arg3[%add3A_18, %dma_start3A_33] : memref<262144x3xf32, #tpu.memory_space<hbm>> -> memref<256x3xf32, #tpu.memory_space<hbm>>
        tpu.enqueue_dma source(%dma_start3A_34 : memref<256x3xf32, #tpu.memory_space<hbm>>) target(%arg8 : memref<256x3xf32, #tpu.memory_space<vmem>>) target_semaphore(%run_scoped3A : memref<!tpu.dma_semaphore, #tpu.memory_space<semaphore_mem>>)
        %dma_wait3A_35 = arith.constant 0 : i32
        %dma_wait3A_36 = tpu.memref_slice %arg3[%add3A_18, %dma_wait3A_35] : memref<262144x3xf32, #tpu.memory_space<hbm>> -> memref<256x3xf32, #tpu.memory_space<hbm>>
        %dma_wait3A_37 = arith.constant 0 : i32
        %dma_wait3A_38 = tpu.memref_slice %arg3[%add3A_18, %dma_wait3A_37] : memref<262144x3xf32, #tpu.memory_space<hbm>> -> memref<256x3xf32, #tpu.memory_space<hbm>>
        tpu.wait_dma2 semaphore(%run_scoped3A : memref<!tpu.dma_semaphore, #tpu.memory_space<semaphore_mem>>) src(%dma_wait3A_38 : memref<256x3xf32, #tpu.memory_space<hbm>>) dst(%arg8 : memref<256x3xf32, #tpu.memory_space<vmem>>)
        tpu.yield
      }) : () -> ()
      "tpu.region"() ({
        %run_scoped3A = tpu.sem_alloc : memref<!tpu.dma_semaphore, #tpu.memory_space<semaphore_mem>>
        %dma_start3A_31 = arith.constant 0 : i32
        %dma_start3A_32 = tpu.memref_slice %arg2[%add3A_18, %dma_start3A_31] : memref<262144x63xf32, #tpu.memory_space<hbm>> -> memref<256x63xf32, #tpu.memory_space<hbm>>
        %dma_start3A_33 = arith.constant 0 : i32
        %dma_start3A_34 = tpu.memref_slice %arg2[%add3A_18, %dma_start3A_33] : memref<262144x63xf32, #tpu.memory_space<hbm>> -> memref<256x63xf32, #tpu.memory_space<hbm>>
        tpu.enqueue_dma source(%dma_start3A_34 : memref<256x63xf32, #tpu.memory_space<hbm>>) target(%arg7 : memref<256x63xf32, #tpu.memory_space<vmem>>) target_semaphore(%run_scoped3A : memref<!tpu.dma_semaphore, #tpu.memory_space<semaphore_mem>>)
        %dma_wait3A_35 = arith.constant 0 : i32
        %dma_wait3A_36 = tpu.memref_slice %arg2[%add3A_18, %dma_wait3A_35] : memref<262144x63xf32, #tpu.memory_space<hbm>> -> memref<256x63xf32, #tpu.memory_space<hbm>>
        %dma_wait3A_37 = arith.constant 0 : i32
        %dma_wait3A_38 = tpu.memref_slice %arg2[%add3A_18, %dma_wait3A_37] : memref<262144x63xf32, #tpu.memory_space<hbm>> -> memref<256x63xf32, #tpu.memory_space<hbm>>
        tpu.wait_dma2 semaphore(%run_scoped3A : memref<!tpu.dma_semaphore, #tpu.memory_space<semaphore_mem>>) src(%dma_wait3A_38 : memref<256x63xf32, #tpu.memory_space<hbm>>) dst(%arg7 : memref<256x63xf32, #tpu.memory_space<vmem>>)
        tpu.yield
      }) : () -> ()
      %scan3A_19 = arith.constant 0 : i32
      %scan3A_20 = arith.constant 0 : i32
      %scan3A_21 = arith.constant 16 : i32
      %scan3A_22 = arith.addi %scan3A_20, %scan3A_21 : i32
      %scan3A_23 = arith.constant 1 : i32
      scf.for %scan3A_31 = %scan3A_20 to %scan3A_22 step %scan3A_23  : i32 {
        %mul3A_32 = arith.constant 16 : i32
        %mul3A_33 = arith.muli %scan3A_31, %mul3A_32 : i32
        %add3A_34 = vector.broadcast %mul3A_33 : i32 to vector<16xi32>
        %add3A_35 = arith.addi %iota3A, %add3A_34 : vector<16xi32>
        %broadcast_in_dim3A = arith.constant 0 : i32
        %broadcast_in_dim3A_36 = vector.broadcast %broadcast_in_dim3A : i32 to vector<16xi32>
        %gather3A = tpu.vector_load_idx %arg8[%add3A_35, %broadcast_in_dim3A_36] : memref<256x3xf32, #tpu.memory_space<vmem>>[vector<16xi32>, vector<16xi32>], vector<16xf32>,
        %broadcast_in_dim3A_37 = arith.constant 63 : i32
        %broadcast_in_dim3A_38 = vector.broadcast %broadcast_in_dim3A_37 : i32 to vector<16xi32>
        tpu.vector_store_idx %arg9[%add3A_35, %broadcast_in_dim3A_38], %gather3A : memref<256x106xf32, #tpu.memory_space<vmem>>[vector<16xi32>, vector<16xi32>], vector<16xf32>,
        %mul3A_39 = arith.constant 0.636619746 : f32
        %mul3A_40 = vector.broadcast %mul3A_39 : f32 to vector<16xf32>
        %mul3A_41 = arith.mulf %gather3A, %mul3A_40 : vector<16xf32>
        %bitcast_convert_type3A = tpu.bitcast %mul3A_41 : vector<16xf32> -> vector<16xi32>
        %and3A = arith.constant -2147483648 : i32
        %and3A_42 = vector.broadcast %and3A : i32 to vector<16xi32>
        %and3A_43 = arith.andi %bitcast_convert_type3A, %and3A_42 : vector<16xi32>
        %or3A = arith.constant 1056964608 : i32
        %or3A_44 = vector.broadcast %or3A : i32 to vector<16xi32>
        %or3A_45 = arith.ori %and3A_43, %or3A_44 : vector<16xi32>
        %bitcast_convert_type3A_46 = tpu.bitcast %or3A_45 : vector<16xi32> -> vector<16xf32>
        %add3A_47 = arith.addf %mul3A_41, %bitcast_convert_type3A_46 : vector<16xf32>
        %convert_element_type3A = arith.fptosi %add3A_47 : vector<16xf32> to vector<16xi32>
        %convert_element_type3A_48 = arith.sitofp %convert_element_type3A : vector<16xi32> to vector<16xf32>
        %mul3A_49 = arith.constant 1.57079315 : f32
        %mul3A_50 = vector.broadcast %mul3A_49 : f32 to vector<16xf32>
        %mul3A_51 = arith.mulf %convert_element_type3A_48, %mul3A_50 : vector<16xf32>
        %sub3A = arith.subf %gather3A, %mul3A_51 : vector<16xf32>
        %mul3A_52 = arith.constant 3.17493937E-6 : f32
        %mul3A_53 = vector.broadcast %mul3A_52 : f32 to vector<16xf32>
        %mul3A_54 = arith.mulf %convert_element_type3A_48, %mul3A_53 : vector<16xf32>
        %sub3A_55 = arith.subf %sub3A, %mul3A_54 : vector<16xf32>
        %mul3A_56 = arith.constant 6.21724894E-14 : f32
        %mul3A_57 = vector.broadcast %mul3A_56 : f32 to vector<16xf32>
        %mul3A_58 = arith.mulf %convert_element_type3A_48, %mul3A_57 : vector<16xf32>
        %sub3A_59 = arith.subf %sub3A_55, %mul3A_58 : vector<16xf32>
        %mul3A_60 = arith.mulf %sub3A_59, %sub3A_59 : vector<16xf32>
        %mul3A_61 = arith.constant -1.95152956E-4 : f32
        %mul3A_62 = vector.broadcast %mul3A_61 : f32 to vector<16xf32>
        %mul3A_63 = arith.mulf %mul3A_60, %mul3A_62 : vector<16xf32>
        %add3A_64 = arith.constant 0.00833216123 : f32
        %add3A_65 = vector.broadcast %add3A_64 : f32 to vector<16xf32>
        %add3A_66 = arith.addf %add3A_65, %mul3A_63 : vector<16xf32>
        %mul3A_67 = arith.mulf %mul3A_60, %add3A_66 : vector<16xf32>
        %add3A_68 = arith.constant -0.166666552 : f32
        %add3A_69 = vector.broadcast %add3A_68 : f32 to vector<16xf32>
        %add3A_70 = arith.addf %add3A_69, %mul3A_67 : vector<16xf32>
        %mul3A_71 = arith.mulf %mul3A_60, %add3A_70 : vector<16xf32>
        %add3A_72 = arith.constant 1.000000e+00 : f32
        %add3A_73 = vector.broadcast %add3A_72 : f32 to vector<16xf32>
        %add3A_74 = arith.addf %add3A_73, %mul3A_71 : vector<16xf32>
        %mul3A_75 = arith.mulf %sub3A_59, %add3A_74 : vector<16xf32>
        %mul3A_76 = arith.constant 2.47604894E-5 : f32
        %mul3A_77 = vector.broadcast %mul3A_76 : f32 to vector<16xf32>
        %mul3A_78 = arith.mulf %mul3A_60, %mul3A_77 : vector<16xf32>
        %add3A_79 = arith.constant -0.00138873106 : f32
        %add3A_80 = vector.broadcast %add3A_79 : f32 to vector<16xf32>
        %add3A_81 = arith.addf %add3A_80, %mul3A_78 : vector<16xf32>
        %mul3A_82 = arith.mulf %mul3A_60, %add3A_81 : vector<16xf32>
        %add3A_83 = arith.constant 0.0416666456 : f32
        %add3A_84 = vector.broadcast %add3A_83 : f32 to vector<16xf32>
        %add3A_85 = arith.addf %add3A_84, %mul3A_82 : vector<16xf32>
        %mul3A_86 = arith.mulf %mul3A_60, %add3A_85 : vector<16xf32>
        %add3A_87 = arith.constant -5.000000e-01 : f32
        %add3A_88 = vector.broadcast %add3A_87 : f32 to vector<16xf32>
        %add3A_89 = arith.addf %add3A_88, %mul3A_86 : vector<16xf32>
        %mul3A_90 = arith.mulf %mul3A_60, %add3A_89 : vector<16xf32>
        %add3A_91 = arith.constant 1.000000e+00 : f32
        %add3A_92 = vector.broadcast %add3A_91 : f32 to vector<16xf32>
        %add3A_93 = arith.addf %add3A_92, %mul3A_90 : vector<16xf32>
        %and3A_94 = arith.constant 1 : i32
        %and3A_95 = vector.broadcast %and3A_94 : i32 to vector<16xi32>
        %and3A_96 = arith.andi %convert_element_type3A, %and3A_95 : vector<16xi32>
        %eq3A = arith.constant 1 : i32
        %eq3A_97 = vector.broadcast %eq3A : i32 to vector<16xi32>
        %eq3A_98 = arith.cmpi eq, %and3A_96, %eq3A_97 : vector<16xi32>
        %select_n3A = arith.select %eq3A_98, %add3A_93, %mul3A_75 : vector<16xi1>, vector<16xf32>
        %select_n3A_99 = arith.select %eq3A_98, %mul3A_75, %add3A_93 : vector<16xi1>, vector<16xf32>
        %and3A_100 = arith.constant 2 : i32
        %and3A_101 = vector.broadcast %and3A_100 : i32 to vector<16xi32>
        %and3A_102 = arith.andi %convert_element_type3A, %and3A_101 : vector<16xi32>
        %shift_left3A = arith.constant 30 : i32
        %shift_left3A_103 = vector.broadcast %shift_left3A : i32 to vector<16xi32>
        %shift_left3A_104 = arith.shli %and3A_102, %shift_left3A_103 : vector<16xi32>
        %add3A_105 = arith.constant 1 : i32
        %add3A_106 = vector.broadcast %add3A_105 : i32 to vector<16xi32>
        %add3A_107 = arith.addi %convert_element_type3A, %add3A_106 : vector<16xi32>
        %and3A_108 = arith.constant 2 : i32
        %and3A_109 = vector.broadcast %and3A_108 : i32 to vector<16xi32>
        %and3A_110 = arith.andi %add3A_107, %and3A_109 : vector<16xi32>
        %shift_left3A_111 = arith.constant 30 : i32
        %shift_left3A_112 = vector.broadcast %shift_left3A_111 : i32 to vector<16xi32>
        %shift_left3A_113 = arith.shli %and3A_110, %shift_left3A_112 : vector<16xi32>
        %bitcast_convert_type3A_114 = tpu.bitcast %select_n3A : vector<16xf32> -> vector<16xi32>
        %xor3A = arith.xori %bitcast_convert_type3A_114, %shift_left3A_104 : vector<16xi32>
        %bitcast_convert_type3A_115 = tpu.bitcast %xor3A : vector<16xi32> -> vector<16xf32>
        %bitcast_convert_type3A_116 = tpu.bitcast %select_n3A_99 : vector<16xf32> -> vector<16xi32>
        %xor3A_117 = arith.xori %bitcast_convert_type3A_116, %shift_left3A_113 : vector<16xi32>
        %bitcast_convert_type3A_118 = tpu.bitcast %xor3A_117 : vector<16xi32> -> vector<16xf32>
        %broadcast_in_dim3A_119 = arith.constant 66 : i32
        %broadcast_in_dim3A_120 = vector.broadcast %broadcast_in_dim3A_119 : i32 to vector<16xi32>
        tpu.vector_store_idx %arg9[%add3A_35, %broadcast_in_dim3A_120], %bitcast_convert_type3A_115 : memref<256x106xf32, #tpu.memory_space<vmem>>[vector<16xi32>, vector<16xi32>], vector<16xf32>,
        %broadcast_in_dim3A_121 = arith.constant 69 : i32
        %broadcast_in_dim3A_122 = vector.broadcast %broadcast_in_dim3A_121 : i32 to vector<16xi32>
        tpu.vector_store_idx %arg9[%add3A_35, %broadcast_in_dim3A_122], %bitcast_convert_type3A_118 : memref<256x106xf32, #tpu.memory_space<vmem>>[vector<16xi32>, vector<16xi32>], vector<16xf32>,
        %mul3A_123 = arith.constant 2.000000e+00 : f32
        %mul3A_124 = vector.broadcast %mul3A_123 : f32 to vector<16xf32>
        %mul3A_125 = arith.mulf %mul3A_124, %bitcast_convert_type3A_115 : vector<16xf32>
        %mul3A_126 = arith.mulf %mul3A_125, %bitcast_convert_type3A_118 : vector<16xf32>
        %mul3A_127 = arith.constant 2.000000e+00 : f32
        %mul3A_128 = vector.broadcast %mul3A_127 : f32 to vector<16xf32>
        %mul3A_129 = arith.mulf %mul3A_128, %bitcast_convert_type3A_115 : vector<16xf32>
        %mul3A_130 = arith.mulf %mul3A_129, %bitcast_convert_type3A_115 : vector<16xf32>
        %sub3A_131 = arith.constant 1.000000e+00 : f32
        %sub3A_132 = vector.broadcast %sub3A_131 : f32 to vector<16xf32>
        %sub3A_133 = arith.subf %sub3A_132, %mul3A_130 : vector<16xf32>
        %broadcast_in_dim3A_134 = arith.constant 72 : i32
        %broadcast_in_dim3A_135 = vector.broadcast %broadcast_in_dim3A_134 : i32 to vector<16xi32>
        tpu.vector_store_idx %arg9[%add3A_35, %broadcast_in_dim3A_135], %mul3A_126 : memref<256x106xf32, #tpu.memory_space<vmem>>[vector<16xi32>, vector<16xi32>], vector<16xf32>,
        %broadcast_in_dim3A_136 = arith.constant 75 : i32
        %broadcast_in_dim3A_137 = vector.broadcast %broadcast_in_dim3A_136 : i32 to vector<16xi32>
        tpu.vector_store_idx %arg9[%add3A_35, %broadcast_in_dim3A_137], %sub3A_133 : memref<256x106xf32, #tpu.memory_space<vmem>>[vector<16xi32>, vector<16xi32>], vector<16xf32>,
        %mul3A_138 = arith.constant 2.000000e+00 : f32
        %mul3A_139 = vector.broadcast %mul3A_138 : f32 to vector<16xf32>
        %mul3A_140 = arith.mulf %mul3A_139, %mul3A_126 : vector<16xf32>
        %mul3A_141 = arith.mulf %mul3A_140, %sub3A_133 : vector<16xf32>
        %mul3A_142 = arith.constant 2.000000e+00 : f32
        %mul3A_143 = vector.broadcast %mul3A_142 : f32 to vector<16xf32>
        %mul3A_144 = arith.mulf %mul3A_143, %mul3A_126 : vector<16xf32>
        %mul3A_145 = arith.mulf %mul3A_144, %mul3A_126 : vector<16xf32>
        %sub3A_146 = arith.constant 1.000000e+00 : f32
        %sub3A_147 = vector.broadcast %sub3A_146 : f32 to vector<16xf32>
        %sub3A_148 = arith.subf %sub3A_147, %mul3A_145 : vector<16xf32>
        %broadcast_in_dim3A_149 = arith.constant 78 : i32
        %broadcast_in_dim3A_150 = vector.broadcast %broadcast_in_dim3A_149 : i32 to vector<16xi32>
        tpu.vector_store_idx %arg9[%add3A_35, %broadcast_in_dim3A_150], %mul3A_141 : memref<256x106xf32, #tpu.memory_space<vmem>>[vector<16xi32>, vector<16xi32>], vector<16xf32>,
        %broadcast_in_dim3A_151 = arith.constant 81 : i32
        %broadcast_in_dim3A_152 = vector.broadcast %broadcast_in_dim3A_151 : i32 to vector<16xi32>
        tpu.vector_store_idx %arg9[%add3A_35, %broadcast_in_dim3A_152], %sub3A_148 : memref<256x106xf32, #tpu.memory_space<vmem>>[vector<16xi32>, vector<16xi32>], vector<16xf32>,
        %mul3A_153 = arith.constant 2.000000e+00 : f32
        %mul3A_154 = vector.broadcast %mul3A_153 : f32 to vector<16xf32>
        %mul3A_155 = arith.mulf %mul3A_154, %mul3A_141 : vector<16xf32>
        %mul3A_156 = arith.mulf %mul3A_155, %sub3A_148 : vector<16xf32>
        %mul3A_157 = arith.constant 2.000000e+00 : f32
        %mul3A_158 = vector.broadcast %mul3A_157 : f32 to vector<16xf32>
        %mul3A_159 = arith.mulf %mul3A_158, %mul3A_141 : vector<16xf32>
        %mul3A_160 = arith.mulf %mul3A_159, %mul3A_141 : vector<16xf32>
        %sub3A_161 = arith.constant 1.000000e+00 : f32
        %sub3A_162 = vector.broadcast %sub3A_161 : f32 to vector<16xf32>
        %sub3A_163 = arith.subf %sub3A_162, %mul3A_160 : vector<16xf32>
        %broadcast_in_dim3A_164 = arith.constant 84 : i32
        %broadcast_in_dim3A_165 = vector.broadcast %broadcast_in_dim3A_164 : i32 to vector<16xi32>
        tpu.vector_store_idx %arg9[%add3A_35, %broadcast_in_dim3A_165], %mul3A_156 : memref<256x106xf32, #tpu.memory_space<vmem>>[vector<16xi32>, vector<16xi32>], vector<16xf32>,
        %broadcast_in_dim3A_166 = arith.constant 87 : i32
        %broadcast_in_dim3A_167 = vector.broadcast %broadcast_in_dim3A_166 : i32 to vector<16xi32>
        tpu.vector_store_idx %arg9[%add3A_35, %broadcast_in_dim3A_167], %sub3A_163 : memref<256x106xf32, #tpu.memory_space<vmem>>[vector<16xi32>, vector<16xi32>], vector<16xf32>,
        %broadcast_in_dim3A_168 = arith.constant 1 : i32
        %broadcast_in_dim3A_169 = vector.broadcast %broadcast_in_dim3A_168 : i32 to vector<16xi32>
        %gather3A_170 = tpu.vector_load_idx %arg8[%add3A_35, %broadcast_in_dim3A_169] : memref<256x3xf32, #tpu.memory_space<vmem>>[vector<16xi32>, vector<16xi32>], vector<16xf32>,
        %broadcast_in_dim3A_171 = arith.constant 64 : i32
        %broadcast_in_dim3A_172 = vector.broadcast %broadcast_in_dim3A_171 : i32 to vector<16xi32>
        tpu.vector_store_idx %arg9[%add3A_35, %broadcast_in_dim3A_172], %gather3A_170 : memref<256x106xf32, #tpu.memory_space<vmem>>[vector<16xi32>, vector<16xi32>], vector<16xf32>,
        %mul3A_173 = arith.constant 0.636619746 : f32
        %mul3A_174 = vector.broadcast %mul3A_173 : f32 to vector<16xf32>
        %mul3A_175 = arith.mulf %gather3A_170, %mul3A_174 : vector<16xf32>
        %bitcast_convert_type3A_176 = tpu.bitcast %mul3A_175 : vector<16xf32> -> vector<16xi32>
        %and3A_177 = arith.constant -2147483648 : i32
        %and3A_178 = vector.broadcast %and3A_177 : i32 to vector<16xi32>
        %and3A_179 = arith.andi %bitcast_convert_type3A_176, %and3A_178 : vector<16xi32>
        %or3A_180 = arith.constant 1056964608 : i32
        %or3A_181 = vector.broadcast %or3A_180 : i32 to vector<16xi32>
        %or3A_182 = arith.ori %and3A_179, %or3A_181 : vector<16xi32>
        %bitcast_convert_type3A_183 = tpu.bitcast %or3A_182 : vector<16xi32> -> vector<16xf32>
        %add3A_184 = arith.addf %mul3A_175, %bitcast_convert_type3A_183 : vector<16xf32>
        %convert_element_type3A_185 = arith.fptosi %add3A_184 : vector<16xf32> to vector<16xi32>
        %convert_element_type3A_186 = arith.sitofp %convert_element_type3A_185 : vector<16xi32> to vector<16xf32>
        %mul3A_187 = arith.constant 1.57079315 : f32
        %mul3A_188 = vector.broadcast %mul3A_187 : f32 to vector<16xf32>
        %mul3A_189 = arith.mulf %convert_element_type3A_186, %mul3A_188 : vector<16xf32>
        %sub3A_190 = arith.subf %gather3A_170, %mul3A_189 : vector<16xf32>
        %mul3A_191 = arith.constant 3.17493937E-6 : f32
        %mul3A_192 = vector.broadcast %mul3A_191 : f32 to vector<16xf32>
        %mul3A_193 = arith.mulf %convert_element_type3A_186, %mul3A_192 : vector<16xf32>
        %sub3A_194 = arith.subf %sub3A_190, %mul3A_193 : vector<16xf32>
        %mul3A_195 = arith.constant 6.21724894E-14 : f32
        %mul3A_196 = vector.broadcast %mul3A_195 : f32 to vector<16xf32>
        %mul3A_197 = arith.mulf %convert_element_type3A_186, %mul3A_196 : vector<16xf32>
        %sub3A_198 = arith.subf %sub3A_194, %mul3A_197 : vector<16xf32>
        %mul3A_199 = arith.mulf %sub3A_198, %sub3A_198 : vector<16xf32>
        %mul3A_200 = arith.constant -1.95152956E-4 : f32
        %mul3A_201 = vector.broadcast %mul3A_200 : f32 to vector<16xf32>
        %mul3A_202 = arith.mulf %mul3A_199, %mul3A_201 : vector<16xf32>
        %add3A_203 = arith.constant 0.00833216123 : f32
        %add3A_204 = vector.broadcast %add3A_203 : f32 to vector<16xf32>
        %add3A_205 = arith.addf %add3A_204, %mul3A_202 : vector<16xf32>
        %mul3A_206 = arith.mulf %mul3A_199, %add3A_205 : vector<16xf32>
        %add3A_207 = arith.constant -0.166666552 : f32
        %add3A_208 = vector.broadcast %add3A_207 : f32 to vector<16xf32>
        %add3A_209 = arith.addf %add3A_208, %mul3A_206 : vector<16xf32>
        %mul3A_210 = arith.mulf %mul3A_199, %add3A_209 : vector<16xf32>
        %add3A_211 = arith.constant 1.000000e+00 : f32
        %add3A_212 = vector.broadcast %add3A_211 : f32 to vector<16xf32>
        %add3A_213 = arith.addf %add3A_212, %mul3A_210 : vector<16xf32>
        %mul3A_214 = arith.mulf %sub3A_198, %add3A_213 : vector<16xf32>
        %mul3A_215 = arith.constant 2.47604894E-5 : f32
        %mul3A_216 = vector.broadcast %mul3A_215 : f32 to vector<16xf32>
        %mul3A_217 = arith.mulf %mul3A_199, %mul3A_216 : vector<16xf32>
        %add3A_218 = arith.constant -0.00138873106 : f32
        %add3A_219 = vector.broadcast %add3A_218 : f32 to vector<16xf32>
        %add3A_220 = arith.addf %add3A_219, %mul3A_217 : vector<16xf32>
        %mul3A_221 = arith.mulf %mul3A_199, %add3A_220 : vector<16xf32>
        %add3A_222 = arith.constant 0.0416666456 : f32
        %add3A_223 = vector.broadcast %add3A_222 : f32 to vector<16xf32>
        %add3A_224 = arith.addf %add3A_223, %mul3A_221 : vector<16xf32>
        %mul3A_225 = arith.mulf %mul3A_199, %add3A_224 : vector<16xf32>
        %add3A_226 = arith.constant -5.000000e-01 : f32
        %add3A_227 = vector.broadcast %add3A_226 : f32 to vector<16xf32>
        %add3A_228 = arith.addf %add3A_227, %mul3A_225 : vector<16xf32>
        %mul3A_229 = arith.mulf %mul3A_199, %add3A_228 : vector<16xf32>
        %add3A_230 = arith.constant 1.000000e+00 : f32
        %add3A_231 = vector.broadcast %add3A_230 : f32 to vector<16xf32>
        %add3A_232 = arith.addf %add3A_231, %mul3A_229 : vector<16xf32>
        %and3A_233 = arith.constant 1 : i32
        %and3A_234 = vector.broadcast %and3A_233 : i32 to vector<16xi32>
        %and3A_235 = arith.andi %convert_element_type3A_185, %and3A_234 : vector<16xi32>
        %eq3A_236 = arith.constant 1 : i32
        %eq3A_237 = vector.broadcast %eq3A_236 : i32 to vector<16xi32>
        %eq3A_238 = arith.cmpi eq, %and3A_235, %eq3A_237 : vector<16xi32>
        %select_n3A_239 = arith.select %eq3A_238, %add3A_232, %mul3A_214 : vector<16xi1>, vector<16xf32>
        %select_n3A_240 = arith.select %eq3A_238, %mul3A_214, %add3A_232 : vector<16xi1>, vector<16xf32>
        %and3A_241 = arith.constant 2 : i32
        %and3A_242 = vector.broadcast %and3A_241 : i32 to vector<16xi32>
        %and3A_243 = arith.andi %convert_element_type3A_185, %and3A_242 : vector<16xi32>
        %shift_left3A_244 = arith.constant 30 : i32
        %shift_left3A_245 = vector.broadcast %shift_left3A_244 : i32 to vector<16xi32>
        %shift_left3A_246 = arith.shli %and3A_243, %shift_left3A_245 : vector<16xi32>
        %add3A_247 = arith.constant 1 : i32
        %add3A_248 = vector.broadcast %add3A_247 : i32 to vector<16xi32>
        %add3A_249 = arith.addi %convert_element_type3A_185, %add3A_248 : vector<16xi32>
        %and3A_250 = arith.constant 2 : i32
        %and3A_251 = vector.broadcast %and3A_250 : i32 to vector<16xi32>
        %and3A_252 = arith.andi %add3A_249, %and3A_251 : vector<16xi32>
        %shift_left3A_253 = arith.constant 30 : i32
        %shift_left3A_254 = vector.broadcast %shift_left3A_253 : i32 to vector<16xi32>
        %shift_left3A_255 = arith.shli %and3A_252, %shift_left3A_254 : vector<16xi32>
        %bitcast_convert_type3A_256 = tpu.bitcast %select_n3A_239 : vector<16xf32> -> vector<16xi32>
        %xor3A_257 = arith.xori %bitcast_convert_type3A_256, %shift_left3A_246 : vector<16xi32>
        %bitcast_convert_type3A_258 = tpu.bitcast %xor3A_257 : vector<16xi32> -> vector<16xf32>
        %bitcast_convert_type3A_259 = tpu.bitcast %select_n3A_240 : vector<16xf32> -> vector<16xi32>
        %xor3A_260 = arith.xori %bitcast_convert_type3A_259, %shift_left3A_255 : vector<16xi32>
        %bitcast_convert_type3A_261 = tpu.bitcast %xor3A_260 : vector<16xi32> -> vector<16xf32>
        %broadcast_in_dim3A_262 = arith.constant 67 : i32
        %broadcast_in_dim3A_263 = vector.broadcast %broadcast_in_dim3A_262 : i32 to vector<16xi32>
        tpu.vector_store_idx %arg9[%add3A_35, %broadcast_in_dim3A_263], %bitcast_convert_type3A_258 : memref<256x106xf32, #tpu.memory_space<vmem>>[vector<16xi32>, vector<16xi32>], vector<16xf32>,
        %broadcast_in_dim3A_264 = arith.constant 70 : i32
        %broadcast_in_dim3A_265 = vector.broadcast %broadcast_in_dim3A_264 : i32 to vector<16xi32>
        tpu.vector_store_idx %arg9[%add3A_35, %broadcast_in_dim3A_265], %bitcast_convert_type3A_261 : memref<256x106xf32, #tpu.memory_space<vmem>>[vector<16xi32>, vector<16xi32>], vector<16xf32>,
        %mul3A_266 = arith.constant 2.000000e+00 : f32
        %mul3A_267 = vector.broadcast %mul3A_266 : f32 to vector<16xf32>
        %mul3A_268 = arith.mulf %mul3A_267, %bitcast_convert_type3A_258 : vector<16xf32>
        %mul3A_269 = arith.mulf %mul3A_268, %bitcast_convert_type3A_261 : vector<16xf32>
        %mul3A_270 = arith.constant 2.000000e+00 : f32
        %mul3A_271 = vector.broadcast %mul3A_270 : f32 to vector<16xf32>
        %mul3A_272 = arith.mulf %mul3A_271, %bitcast_convert_type3A_258 : vector<16xf32>
        %mul3A_273 = arith.mulf %mul3A_272, %bitcast_convert_type3A_258 : vector<16xf32>
        %sub3A_274 = arith.constant 1.000000e+00 : f32
        %sub3A_275 = vector.broadcast %sub3A_274 : f32 to vector<16xf32>
        %sub3A_276 = arith.subf %sub3A_275, %mul3A_273 : vector<16xf32>
        %broadcast_in_dim3A_277 = arith.constant 73 : i32
        %broadcast_in_dim3A_278 = vector.broadcast %broadcast_in_dim3A_277 : i32 to vector<16xi32>
        tpu.vector_store_idx %arg9[%add3A_35, %broadcast_in_dim3A_278], %mul3A_269 : memref<256x106xf32, #tpu.memory_space<vmem>>[vector<16xi32>, vector<16xi32>], vector<16xf32>,
        %broadcast_in_dim3A_279 = arith.constant 76 : i32
        %broadcast_in_dim3A_280 = vector.broadcast %broadcast_in_dim3A_279 : i32 to vector<16xi32>
        tpu.vector_store_idx %arg9[%add3A_35, %broadcast_in_dim3A_280], %sub3A_276 : memref<256x106xf32, #tpu.memory_space<vmem>>[vector<16xi32>, vector<16xi32>], vector<16xf32>,
        %mul3A_281 = arith.constant 2.000000e+00 : f32
        %mul3A_282 = vector.broadcast %mul3A_281 : f32 to vector<16xf32>
        %mul3A_283 = arith.mulf %mul3A_282, %mul3A_269 : vector<16xf32>
        %mul3A_284 = arith.mulf %mul3A_283, %sub3A_276 : vector<16xf32>
        %mul3A_285 = arith.constant 2.000000e+00 : f32
        %mul3A_286 = vector.broadcast %mul3A_285 : f32 to vector<16xf32>
        %mul3A_287 = arith.mulf %mul3A_286, %mul3A_269 : vector<16xf32>
        %mul3A_288 = arith.mulf %mul3A_287, %mul3A_269 : vector<16xf32>
        %sub3A_289 = arith.constant 1.000000e+00 : f32
        %sub3A_290 = vector.broadcast %sub3A_289 : f32 to vector<16xf32>
        %sub3A_291 = arith.subf %sub3A_290, %mul3A_288 : vector<16xf32>
        %broadcast_in_dim3A_292 = arith.constant 79 : i32
        %broadcast_in_dim3A_293 = vector.broadcast %broadcast_in_dim3A_292 : i32 to vector<16xi32>
        tpu.vector_store_idx %arg9[%add3A_35, %broadcast_in_dim3A_293], %mul3A_284 : memref<256x106xf32, #tpu.memory_space<vmem>>[vector<16xi32>, vector<16xi32>], vector<16xf32>,
        %broadcast_in_dim3A_294 = arith.constant 82 : i32
        %broadcast_in_dim3A_295 = vector.broadcast %broadcast_in_dim3A_294 : i32 to vector<16xi32>
        tpu.vector_store_idx %arg9[%add3A_35, %broadcast_in_dim3A_295], %sub3A_291 : memref<256x106xf32, #tpu.memory_space<vmem>>[vector<16xi32>, vector<16xi32>], vector<16xf32>,
        %mul3A_296 = arith.constant 2.000000e+00 : f32
        %mul3A_297 = vector.broadcast %mul3A_296 : f32 to vector<16xf32>
        %mul3A_298 = arith.mulf %mul3A_297, %mul3A_284 : vector<16xf32>
        %mul3A_299 = arith.mulf %mul3A_298, %sub3A_291 : vector<16xf32>
        %mul3A_300 = arith.constant 2.000000e+00 : f32
        %mul3A_301 = vector.broadcast %mul3A_300 : f32 to vector<16xf32>
        %mul3A_302 = arith.mulf %mul3A_301, %mul3A_284 : vector<16xf32>
        %mul3A_303 = arith.mulf %mul3A_302, %mul3A_284 : vector<16xf32>
        %sub3A_304 = arith.constant 1.000000e+00 : f32
        %sub3A_305 = vector.broadcast %sub3A_304 : f32 to vector<16xf32>
        %sub3A_306 = arith.subf %sub3A_305, %mul3A_303 : vector<16xf32>
        %broadcast_in_dim3A_307 = arith.constant 85 : i32
        %broadcast_in_dim3A_308 = vector.broadcast %broadcast_in_dim3A_307 : i32 to vector<16xi32>
        tpu.vector_store_idx %arg9[%add3A_35, %broadcast_in_dim3A_308], %mul3A_299 : memref<256x106xf32, #tpu.memory_space<vmem>>[vector<16xi32>, vector<16xi32>], vector<16xf32>,
        %broadcast_in_dim3A_309 = arith.constant 88 : i32
        %broadcast_in_dim3A_310 = vector.broadcast %broadcast_in_dim3A_309 : i32 to vector<16xi32>
        tpu.vector_store_idx %arg9[%add3A_35, %broadcast_in_dim3A_310], %sub3A_306 : memref<256x106xf32, #tpu.memory_space<vmem>>[vector<16xi32>, vector<16xi32>], vector<16xf32>,
        %broadcast_in_dim3A_311 = arith.constant 2 : i32
        %broadcast_in_dim3A_312 = vector.broadcast %broadcast_in_dim3A_311 : i32 to vector<16xi32>
        %gather3A_313 = tpu.vector_load_idx %arg8[%add3A_35, %broadcast_in_dim3A_312] : memref<256x3xf32, #tpu.memory_space<vmem>>[vector<16xi32>, vector<16xi32>], vector<16xf32>,
        %broadcast_in_dim3A_314 = arith.constant 65 : i32
        %broadcast_in_dim3A_315 = vector.broadcast %broadcast_in_dim3A_314 : i32 to vector<16xi32>
        tpu.vector_store_idx %arg9[%add3A_35, %broadcast_in_dim3A_315], %gather3A_313 : memref<256x106xf32, #tpu.memory_space<vmem>>[vector<16xi32>, vector<16xi32>], vector<16xf32>,
        %mul3A_316 = arith.constant 0.636619746 : f32
        %mul3A_317 = vector.broadcast %mul3A_316 : f32 to vector<16xf32>
        %mul3A_318 = arith.mulf %gather3A_313, %mul3A_317 : vector<16xf32>
        %bitcast_convert_type3A_319 = tpu.bitcast %mul3A_318 : vector<16xf32> -> vector<16xi32>
        %and3A_320 = arith.constant -2147483648 : i32
        %and3A_321 = vector.broadcast %and3A_320 : i32 to vector<16xi32>
        %and3A_322 = arith.andi %bitcast_convert_type3A_319, %and3A_321 : vector<16xi32>
        %or3A_323 = arith.constant 1056964608 : i32
        %or3A_324 = vector.broadcast %or3A_323 : i32 to vector<16xi32>
        %or3A_325 = arith.ori %and3A_322, %or3A_324 : vector<16xi32>
        %bitcast_convert_type3A_326 = tpu.bitcast %or3A_325 : vector<16xi32> -> vector<16xf32>
        %add3A_327 = arith.addf %mul3A_318, %bitcast_convert_type3A_326 : vector<16xf32>
        %convert_element_type3A_328 = arith.fptosi %add3A_327 : vector<16xf32> to vector<16xi32>
        %convert_element_type3A_329 = arith.sitofp %convert_element_type3A_328 : vector<16xi32> to vector<16xf32>
        %mul3A_330 = arith.constant 1.57079315 : f32
        %mul3A_331 = vector.broadcast %mul3A_330 : f32 to vector<16xf32>
        %mul3A_332 = arith.mulf %convert_element_type3A_329, %mul3A_331 : vector<16xf32>
        %sub3A_333 = arith.subf %gather3A_313, %mul3A_332 : vector<16xf32>
        %mul3A_334 = arith.constant 3.17493937E-6 : f32
        %mul3A_335 = vector.broadcast %mul3A_334 : f32 to vector<16xf32>
        %mul3A_336 = arith.mulf %convert_element_type3A_329, %mul3A_335 : vector<16xf32>
        %sub3A_337 = arith.subf %sub3A_333, %mul3A_336 : vector<16xf32>
        %mul3A_338 = arith.constant 6.21724894E-14 : f32
        %mul3A_339 = vector.broadcast %mul3A_338 : f32 to vector<16xf32>
        %mul3A_340 = arith.mulf %convert_element_type3A_329, %mul3A_339 : vector<16xf32>
        %sub3A_341 = arith.subf %sub3A_337, %mul3A_340 : vector<16xf32>
        %mul3A_342 = arith.mulf %sub3A_341, %sub3A_341 : vector<16xf32>
        %mul3A_343 = arith.constant -1.95152956E-4 : f32
        %mul3A_344 = vector.broadcast %mul3A_343 : f32 to vector<16xf32>
        %mul3A_345 = arith.mulf %mul3A_342, %mul3A_344 : vector<16xf32>
        %add3A_346 = arith.constant 0.00833216123 : f32
        %add3A_347 = vector.broadcast %add3A_346 : f32 to vector<16xf32>
        %add3A_348 = arith.addf %add3A_347, %mul3A_345 : vector<16xf32>
        %mul3A_349 = arith.mulf %mul3A_342, %add3A_348 : vector<16xf32>
        %add3A_350 = arith.constant -0.166666552 : f32
        %add3A_351 = vector.broadcast %add3A_350 : f32 to vector<16xf32>
        %add3A_352 = arith.addf %add3A_351, %mul3A_349 : vector<16xf32>
        %mul3A_353 = arith.mulf %mul3A_342, %add3A_352 : vector<16xf32>
        %add3A_354 = arith.constant 1.000000e+00 : f32
        %add3A_355 = vector.broadcast %add3A_354 : f32 to vector<16xf32>
        %add3A_356 = arith.addf %add3A_355, %mul3A_353 : vector<16xf32>
        %mul3A_357 = arith.mulf %sub3A_341, %add3A_356 : vector<16xf32>
        %mul3A_358 = arith.constant 2.47604894E-5 : f32
        %mul3A_359 = vector.broadcast %mul3A_358 : f32 to vector<16xf32>
        %mul3A_360 = arith.mulf %mul3A_342, %mul3A_359 : vector<16xf32>
        %add3A_361 = arith.constant -0.00138873106 : f32
        %add3A_362 = vector.broadcast %add3A_361 : f32 to vector<16xf32>
        %add3A_363 = arith.addf %add3A_362, %mul3A_360 : vector<16xf32>
        %mul3A_364 = arith.mulf %mul3A_342, %add3A_363 : vector<16xf32>
        %add3A_365 = arith.constant 0.0416666456 : f32
        %add3A_366 = vector.broadcast %add3A_365 : f32 to vector<16xf32>
        %add3A_367 = arith.addf %add3A_366, %mul3A_364 : vector<16xf32>
        %mul3A_368 = arith.mulf %mul3A_342, %add3A_367 : vector<16xf32>
        %add3A_369 = arith.constant -5.000000e-01 : f32
        %add3A_370 = vector.broadcast %add3A_369 : f32 to vector<16xf32>
        %add3A_371 = arith.addf %add3A_370, %mul3A_368 : vector<16xf32>
        %mul3A_372 = arith.mulf %mul3A_342, %add3A_371 : vector<16xf32>
        %add3A_373 = arith.constant 1.000000e+00 : f32
        %add3A_374 = vector.broadcast %add3A_373 : f32 to vector<16xf32>
        %add3A_375 = arith.addf %add3A_374, %mul3A_372 : vector<16xf32>
        %and3A_376 = arith.constant 1 : i32
        %and3A_377 = vector.broadcast %and3A_376 : i32 to vector<16xi32>
        %and3A_378 = arith.andi %convert_element_type3A_328, %and3A_377 : vector<16xi32>
        %eq3A_379 = arith.constant 1 : i32
        %eq3A_380 = vector.broadcast %eq3A_379 : i32 to vector<16xi32>
        %eq3A_381 = arith.cmpi eq, %and3A_378, %eq3A_380 : vector<16xi32>
        %select_n3A_382 = arith.select %eq3A_381, %add3A_375, %mul3A_357 : vector<16xi1>, vector<16xf32>
        %select_n3A_383 = arith.select %eq3A_381, %mul3A_357, %add3A_375 : vector<16xi1>, vector<16xf32>
        %and3A_384 = arith.constant 2 : i32
        %and3A_385 = vector.broadcast %and3A_384 : i32 to vector<16xi32>
        %and3A_386 = arith.andi %convert_element_type3A_328, %and3A_385 : vector<16xi32>
        %shift_left3A_387 = arith.constant 30 : i32
        %shift_left3A_388 = vector.broadcast %shift_left3A_387 : i32 to vector<16xi32>
        %shift_left3A_389 = arith.shli %and3A_386, %shift_left3A_388 : vector<16xi32>
        %add3A_390 = arith.constant 1 : i32
        %add3A_391 = vector.broadcast %add3A_390 : i32 to vector<16xi32>
        %add3A_392 = arith.addi %convert_element_type3A_328, %add3A_391 : vector<16xi32>
        %and3A_393 = arith.constant 2 : i32
        %and3A_394 = vector.broadcast %and3A_393 : i32 to vector<16xi32>
        %and3A_395 = arith.andi %add3A_392, %and3A_394 : vector<16xi32>
        %shift_left3A_396 = arith.constant 30 : i32
        %shift_left3A_397 = vector.broadcast %shift_left3A_396 : i32 to vector<16xi32>
        %shift_left3A_398 = arith.shli %and3A_395, %shift_left3A_397 : vector<16xi32>
        %bitcast_convert_type3A_399 = tpu.bitcast %select_n3A_382 : vector<16xf32> -> vector<16xi32>
        %xor3A_400 = arith.xori %bitcast_convert_type3A_399, %shift_left3A_389 : vector<16xi32>
        %bitcast_convert_type3A_401 = tpu.bitcast %xor3A_400 : vector<16xi32> -> vector<16xf32>
        %bitcast_convert_type3A_402 = tpu.bitcast %select_n3A_383 : vector<16xf32> -> vector<16xi32>
        %xor3A_403 = arith.xori %bitcast_convert_type3A_402, %shift_left3A_398 : vector<16xi32>
        %bitcast_convert_type3A_404 = tpu.bitcast %xor3A_403 : vector<16xi32> -> vector<16xf32>
        %broadcast_in_dim3A_405 = arith.constant 68 : i32
        %broadcast_in_dim3A_406 = vector.broadcast %broadcast_in_dim3A_405 : i32 to vector<16xi32>
        tpu.vector_store_idx %arg9[%add3A_35, %broadcast_in_dim3A_406], %bitcast_convert_type3A_401 : memref<256x106xf32, #tpu.memory_space<vmem>>[vector<16xi32>, vector<16xi32>], vector<16xf32>,
        %broadcast_in_dim3A_407 = arith.constant 71 : i32
        %broadcast_in_dim3A_408 = vector.broadcast %broadcast_in_dim3A_407 : i32 to vector<16xi32>
        tpu.vector_store_idx %arg9[%add3A_35, %broadcast_in_dim3A_408], %bitcast_convert_type3A_404 : memref<256x106xf32, #tpu.memory_space<vmem>>[vector<16xi32>, vector<16xi32>], vector<16xf32>,
        %mul3A_409 = arith.constant 2.000000e+00 : f32
        %mul3A_410 = vector.broadcast %mul3A_409 : f32 to vector<16xf32>
        %mul3A_411 = arith.mulf %mul3A_410, %bitcast_convert_type3A_401 : vector<16xf32>
        %mul3A_412 = arith.mulf %mul3A_411, %bitcast_convert_type3A_404 : vector<16xf32>
        %mul3A_413 = arith.constant 2.000000e+00 : f32
        %mul3A_414 = vector.broadcast %mul3A_413 : f32 to vector<16xf32>
        %mul3A_415 = arith.mulf %mul3A_414, %bitcast_convert_type3A_401 : vector<16xf32>
        %mul3A_416 = arith.mulf %mul3A_415, %bitcast_convert_type3A_401 : vector<16xf32>
        %sub3A_417 = arith.constant 1.000000e+00 : f32
        %sub3A_418 = vector.broadcast %sub3A_417 : f32 to vector<16xf32>
        %sub3A_419 = arith.subf %sub3A_418, %mul3A_416 : vector<16xf32>
        %broadcast_in_dim3A_420 = arith.constant 74 : i32
        %broadcast_in_dim3A_421 = vector.broadcast %broadcast_in_dim3A_420 : i32 to vector<16xi32>
        tpu.vector_store_idx %arg9[%add3A_35, %broadcast_in_dim3A_421], %mul3A_412 : memref<256x106xf32, #tpu.memory_space<vmem>>[vector<16xi32>, vector<16xi32>], vector<16xf32>,
        %broadcast_in_dim3A_422 = arith.constant 77 : i32
        %broadcast_in_dim3A_423 = vector.broadcast %broadcast_in_dim3A_422 : i32 to vector<16xi32>
        tpu.vector_store_idx %arg9[%add3A_35, %broadcast_in_dim3A_423], %sub3A_419 : memref<256x106xf32, #tpu.memory_space<vmem>>[vector<16xi32>, vector<16xi32>], vector<16xf32>,
        %mul3A_424 = arith.constant 2.000000e+00 : f32
        %mul3A_425 = vector.broadcast %mul3A_424 : f32 to vector<16xf32>
        %mul3A_426 = arith.mulf %mul3A_425, %mul3A_412 : vector<16xf32>
        %mul3A_427 = arith.mulf %mul3A_426, %sub3A_419 : vector<16xf32>
        %mul3A_428 = arith.constant 2.000000e+00 : f32
        %mul3A_429 = vector.broadcast %mul3A_428 : f32 to vector<16xf32>
        %mul3A_430 = arith.mulf %mul3A_429, %mul3A_412 : vector<16xf32>
        %mul3A_431 = arith.mulf %mul3A_430, %mul3A_412 : vector<16xf32>
        %sub3A_432 = arith.constant 1.000000e+00 : f32
        %sub3A_433 = vector.broadcast %sub3A_432 : f32 to vector<16xf32>
        %sub3A_434 = arith.subf %sub3A_433, %mul3A_431 : vector<16xf32>
        %broadcast_in_dim3A_435 = arith.constant 80 : i32
        %broadcast_in_dim3A_436 = vector.broadcast %broadcast_in_dim3A_435 : i32 to vector<16xi32>
        tpu.vector_store_idx %arg9[%add3A_35, %broadcast_in_dim3A_436], %mul3A_427 : memref<256x106xf32, #tpu.memory_space<vmem>>[vector<16xi32>, vector<16xi32>], vector<16xf32>,
        %broadcast_in_dim3A_437 = arith.constant 83 : i32
        %broadcast_in_dim3A_438 = vector.broadcast %broadcast_in_dim3A_437 : i32 to vector<16xi32>
        tpu.vector_store_idx %arg9[%add3A_35, %broadcast_in_dim3A_438], %sub3A_434 : memref<256x106xf32, #tpu.memory_space<vmem>>[vector<16xi32>, vector<16xi32>], vector<16xf32>,
        %mul3A_439 = arith.constant 2.000000e+00 : f32
        %mul3A_440 = vector.broadcast %mul3A_439 : f32 to vector<16xf32>
        %mul3A_441 = arith.mulf %mul3A_440, %mul3A_427 : vector<16xf32>
        %mul3A_442 = arith.mulf %mul3A_441, %sub3A_434 : vector<16xf32>
        %mul3A_443 = arith.constant 2.000000e+00 : f32
        %mul3A_444 = vector.broadcast %mul3A_443 : f32 to vector<16xf32>
        %mul3A_445 = arith.mulf %mul3A_444, %mul3A_427 : vector<16xf32>
        %mul3A_446 = arith.mulf %mul3A_445, %mul3A_427 : vector<16xf32>
        %sub3A_447 = arith.constant 1.000000e+00 : f32
        %sub3A_448 = vector.broadcast %sub3A_447 : f32 to vector<16xf32>
        %sub3A_449 = arith.subf %sub3A_448, %mul3A_446 : vector<16xf32>
        %broadcast_in_dim3A_450 = arith.constant 86 : i32
        %broadcast_in_dim3A_451 = vector.broadcast %broadcast_in_dim3A_450 : i32 to vector<16xi32>
        tpu.vector_store_idx %arg9[%add3A_35, %broadcast_in_dim3A_451], %mul3A_442 : memref<256x106xf32, #tpu.memory_space<vmem>>[vector<16xi32>, vector<16xi32>], vector<16xf32>,
        %broadcast_in_dim3A_452 = arith.constant 89 : i32
        %broadcast_in_dim3A_453 = vector.broadcast %broadcast_in_dim3A_452 : i32 to vector<16xi32>
        tpu.vector_store_idx %arg9[%add3A_35, %broadcast_in_dim3A_453], %sub3A_449 : memref<256x106xf32, #tpu.memory_space<vmem>>[vector<16xi32>, vector<16xi32>], vector<16xf32>,
      }
      %scan3A_24 = arith.constant 16 : i32
      %scan3A_25 = arith.constant 0 : i32
      %scan3A_26 = arith.constant 0 : i32
      %scan3A_27 = arith.constant 256 : i32
      %scan3A_28 = arith.addi %scan3A_26, %scan3A_27 : i32
      %scan3A_29 = arith.constant 1 : i32
      scf.for %scan3A_31 = %scan3A_26 to %scan3A_28 step %scan3A_29  : i32 {
        %get3A_32 = arith.index_cast %scan3A_31 : i32 to index
        %get3A_33 = arith.constant 0 : index
        %get3A_34 = tpu.vector_load %arg7[%get3A_32, %get3A_33] {strides = array<i32>} : memref<256x63xf32, #tpu.memory_space<vmem>>, vector<16xf32>,
        %swap3A = arith.index_cast %scan3A_31 : i32 to index
        %swap3A_35 = arith.constant 0 : index
        %swap3A_36 = tpu.vector_load %arg9[%swap3A, %swap3A_35] {strides = array<i32>} : memref<256x106xf32, #tpu.memory_space<vmem>>, vector<16xf32>,
        tpu.vector_store %arg9[%swap3A, %swap3A_35], %get3A_34 {strides = array<i32>} : memref<256x106xf32, #tpu.memory_space<vmem>>, vector<16xf32>,
        %get3A_37 = arith.index_cast %scan3A_31 : i32 to index
        %get3A_38 = arith.constant 16 : index
        %get3A_39 = tpu.vector_load %arg7[%get3A_37, %get3A_38] {strides = array<i32>} : memref<256x63xf32, #tpu.memory_space<vmem>>, vector<16xf32>,
        %swap3A_40 = arith.index_cast %scan3A_31 : i32 to index
        %swap3A_41 = arith.constant 16 : index
        %swap3A_42 = tpu.vector_load %arg9[%swap3A_40, %swap3A_41] {strides = array<i32>} : memref<256x106xf32, #tpu.memory_space<vmem>>, vector<16xf32>,
        tpu.vector_store %arg9[%swap3A_40, %swap3A_41], %get3A_39 {strides = array<i32>} : memref<256x106xf32, #tpu.memory_space<vmem>>, vector<16xf32>,
        %get3A_43 = arith.index_cast %scan3A_31 : i32 to index
        %get3A_44 = arith.constant 32 : index
        %get3A_45 = tpu.vector_load %arg7[%get3A_43, %get3A_44] {strides = array<i32>} : memref<256x63xf32, #tpu.memory_space<vmem>>, vector<16xf32>,
        %swap3A_46 = arith.index_cast %scan3A_31 : i32 to index
        %swap3A_47 = arith.constant 32 : index
        %swap3A_48 = tpu.vector_load %arg9[%swap3A_46, %swap3A_47] {strides = array<i32>} : memref<256x106xf32, #tpu.memory_space<vmem>>, vector<16xf32>,
        tpu.vector_store %arg9[%swap3A_46, %swap3A_47], %get3A_45 {strides = array<i32>} : memref<256x106xf32, #tpu.memory_space<vmem>>, vector<16xf32>,
        %get3A_49 = arith.index_cast %scan3A_31 : i32 to index
        %get3A_50 = arith.constant 47 : index
        %get3A_51 = tpu.vector_load %arg7[%get3A_49, %get3A_50] {strides = array<i32>} : memref<256x63xf32, #tpu.memory_space<vmem>>, vector<16xf32>,
        %swap3A_52 = arith.index_cast %scan3A_31 : i32 to index
        %swap3A_53 = arith.constant 47 : index
        %swap3A_54 = tpu.vector_load %arg9[%swap3A_52, %swap3A_53] {strides = array<i32>} : memref<256x106xf32, #tpu.memory_space<vmem>>, vector<16xf32>,
        tpu.vector_store %arg9[%swap3A_52, %swap3A_53], %get3A_51 {strides = array<i32>} : memref<256x106xf32, #tpu.memory_space<vmem>>, vector<16xf32>,
        %swap3A_55 = arith.index_cast %scan3A_31 : i32 to index
        %swap3A_56 = arith.constant 90 : index
        %swap3A_57 = tpu.vector_load %arg9[%swap3A_55, %swap3A_56] {strides = array<i32>} : memref<256x106xf32, #tpu.memory_space<vmem>>, vector<16xf32>,
        tpu.vector_store %arg9[%swap3A_55, %swap3A_56], %get3A_9 {strides = array<i32>} : memref<256x106xf32, #tpu.memory_space<vmem>>, vector<16xf32>,
      }
      %scan3A_30 = arith.constant 256 : i32
      "tpu.region"() ({
        %run_scoped3A = tpu.sem_alloc : memref<!tpu.dma_semaphore, #tpu.memory_space<semaphore_mem>>
        %dma_start3A_31 = arith.constant 0 : i32
        %dma_start3A_32 = tpu.memref_slice %arg6[%add3A_18, %dma_start3A_31] : memref<262144x106xf32, #tpu.memory_space<hbm>> -> memref<256x106xf32, #tpu.memory_space<hbm>>
        %dma_start3A_33 = arith.constant 0 : i32
        %dma_start3A_34 = tpu.memref_slice %arg6[%add3A_18, %dma_start3A_33] : memref<262144x106xf32, #tpu.memory_space<hbm>> -> memref<256x106xf32, #tpu.memory_space<hbm>>
        tpu.enqueue_dma source(%arg9 : memref<256x106xf32, #tpu.memory_space<vmem>>) target(%dma_start3A_34 : memref<256x106xf32, #tpu.memory_space<hbm>>) target_semaphore(%run_scoped3A : memref<!tpu.dma_semaphore, #tpu.memory_space<semaphore_mem>>)
        %dma_wait3A_35 = arith.constant 0 : i32
        %dma_wait3A_36 = tpu.memref_slice %arg6[%add3A_18, %dma_wait3A_35] : memref<262144x106xf32, #tpu.memory_space<hbm>> -> memref<256x106xf32, #tpu.memory_space<hbm>>
        %dma_wait3A_37 = arith.constant 0 : i32
        %dma_wait3A_38 = tpu.memref_slice %arg6[%add3A_18, %dma_wait3A_37] : memref<262144x106xf32, #tpu.memory_space<hbm>> -> memref<256x106xf32, #tpu.memory_space<hbm>>
        tpu.wait_dma2 semaphore(%run_scoped3A : memref<!tpu.dma_semaphore, #tpu.memory_space<semaphore_mem>>) src(%arg9 : memref<256x106xf32, #tpu.memory_space<vmem>>) dst(%dma_wait3A_38 : memref<256x106xf32, #tpu.memory_space<hbm>>)
        tpu.yield
      }) : () -> ()
    }
    %scan3A_14 = arith.constant 32 : i32
    return
  }
}

</mosaic_0001>

<sc_bundles>
// kernel: kernel.3.cloned.1.call-start
scs
__scs_entry_jumppad:
0x0: {  	(pc) =	sbr.rel $0x88, $3  }
0x1: {  	(tag) =	ssettag $0x0;
	lr =	simm.s32 $0x1  }
0x2: {  	[smem:$0x3F9D] =	sst lr;
	_ =	strace $0xD0000000  }
0x3: {  	_ = 	snop  }
0x4: {  	_ = 	snop  }
0x5: {  	_ = 	snop  }
0x6: {  	_ = 	snop  }
0x7: {  	_ = 	snop  }
__scs_overlays_trampoline_lowered:
0x8: {  	[smem:$0x3FAC] =	sst s0  }
0x9: {  	[smem:$0x3FAD] =	sst s1  }
0xa: {  	[smem:$0x3FAE] =	sst s2  }
0xb: {  	[smem:$0x3FAF] =	sst s3  }
0xc: {  	[smem:$0x3FB0] =	sst s4  }
0xd: {  	[smem:$0x3FB1] =	sst s5  }
0xe: {  	[smem:$0x3FB2] =	sst s6  }
0xf: {  	[smem:$0x3FB3] =	sst s7  }
0x10: {  	[smem:$0x3FB4] =	sst s8  }
0x11: {  	[smem:$0x3FB5] =	sst s9;
	s0 =	simm.s32 @!p0 $0x0  }
0x12: {  	s1 =	sld [smem:$0x3F9B];
	s0 =	simm.s32 @p0 $0x1  }
0x13: {  	[smem:$0x3FB6] =	sst s0;
	s0 =	simm.s32 @!p1 $0x0  }
0x14: {  	s2 =	sld [smem:$0x3F9A];
	s0 =	simm.s32 @p1 $0x1  }
0x15: {  	[smem:$0x3FB7] =	sst s0;
	s0 =	simm.s32 @!p2 $0x0  }
0x16: {  	s3 =	sld [smem:$0x3FDB];
	s0 =	simm.s32 @p2 $0x1  }
0x17: {  	s4 =	simm.s32 $0x1BF5;
	[smem:$0x3FB9] =	sst s0  }
0x18: {  	s0 =	sld [smem:$0x3F9C];
	_ =	swait.ge [sflag:s4], $0x0  }
0x19: {  	s7 =	sld [smem:$0x3F9D]  }
0x1a: {  	s8 =	sadd.s32 $0xFFFFE003, lr  }
0x1b: {  	s9 =	sadd.s32 $0xFFFFFEF7, lr;
	s5 =	simm.s32 $0xFFFFFFFF;
	p2 =	slt.u32 s8, $0xFFFFF086  }
0x1c: {  	p1 =	slt.u32 s9, $0xF7A;
	s5 =	simm.s32 @!p2 $0x0  }
0x1d: {  	s5 =	simm.s32 @p1 $0x1;
	p0 =	seq.s32 s7, s2  }
0x1e: {  	s7 =	smul.u32 @!p0 $0xF7A, s2;
	p2 =	seq.s32 @!p0 s5, $0x0  }
0x1f: {  	s9 =	smul.u32 $0xF7A, s1;
	s8 =	simm.s32 @!p0 $0x1BF5;
	p2 =	por !p2, p0  }
0x20: {  	[sflag:s8] =	ssyncset.s32 @!p0 $0xFFFFF086;
	s6 =	sadd.s32 @!p0 s3, s7;
	s7 =	simm.s32 @!p0 $0x108  }
0x21: {  	s3 =	sadd.s32 s3, s9;
	s6 =	sadd.s32 @!p0 $0x88, s6;
	s7 =	simm.s32 @p2 $0x1082  }
0x22: {  	[simem:s7], [sflag:s8] =	dma.local @!p0 [hbm:s6], $0xF7A  }
0x23: {  	s9 =	sor.u32 $0xD0000000, s2;
	s6 =	simm.s32 $0x108;
	_ =	swait.ge @!p0 [sflag:s8], $0x0  }
0x24: {  	s3 =	sadd.s32 $0x88, s3;
	s6 =	simm.s32 @!p1 $0x1082;
	[sflag:s4] =	ssyncset.s32 $0xFFFFF086  }
0x25: {  	[simem:s6], [sflag:s4] =	dma.local [hbm:s3], $0xF7A  }
0x26: {  	[smem:$0x3F9D] =	sst s1;
	(tag) =	ssettag s2;
	_ =	strace s9  }
0x27: {  	s1 =	sld [smem:$0x3FAD]  }
0x28: {  	s2 =	sld [smem:$0x3FAE]  }
0x29: {  	s4 =	sld [smem:$0x3FB0]  }
0x2a: {  	p0 =	seq.s32 s5, $0x0;
	s5 =	sld [smem:$0x3FB1]  }
0x2b: {  	s6 =	sld [smem:$0x3FB2]  }
0x2c: {  	s7 =	sld [smem:$0x3FB3]  }
0x2d: {  	s3 =	simm.s32 $0x108;
	s8 =	sld [smem:$0x3FB4]  }
0x2e: {  	s3 =	simm.s32 @!p0 $0x1082;
	s9 =	sld [smem:$0x3FB5]  }
0x2f: {  	lr =	sadd.s32 s0, s3;
	s0 =	sld [smem:$0x3FAC]  }
0x30: {  	s3 =	sld [smem:$0x3FAF]  }
0x31: {  	[smem:$0x3FB8] =	sst s10  }
0x32: {  	s10 =	sld [smem:$0x3FB6];
	_ =	sdelay $0x3  }
0x33: {  	p0 =	seq.s32 s10, $0x1;
	s10 =	sld [smem:$0x3FB8];
	_ =	sdelay $0x3  }
0x34: {  	[smem:$0x3FB8] =	sst s10  }
0x35: {  	s10 =	sld [smem:$0x3FB7];
	_ =	sdelay $0x3  }
0x36: {  	p1 =	seq.s32 s10, $0x1;
	s10 =	sld [smem:$0x3FB8];
	_ =	sdelay $0x3  }
0x37: {  	[smem:$0x3FB8] =	sst s10  }
0x38: {  	s10 =	sld [smem:$0x3FB9]  }
0x39: {  	_ = 	snop;
	(pc) =	sbr.ind lr, $3  }
0x3a: {  	_ = 	snop  }
0x3b: {  	_ = 	snop  }
0x3c: {  	p2 =	seq.s32 s10, $0x1;
	s10 =	sld [smem:$0x3FB8]  }
0x3d: {  	_ =	shalt  }
0x3e: {  	_ =	shalt  }
0x3f: {  	_ =	shalt  }
0x40: {  	_ =	shalt  }
0x41: {  	_ =	shalt  }
0x42: {  	_ =	shalt  }
0x43: {  	_ =	shalt  }
0x44: {  	_ =	shalt  }
0x45: {  	_ =	shalt  }
0x46: {  	_ =	shalt  }
0x47: {  	_ =	shalt  }
0x48: {  	_ =	shalt  }
0x49: {  	_ =	shalt  }
0x4a: {  	_ =	shalt  }
0x4b: {  	_ =	shalt  }
0x4c: {  	_ =	shalt  }
0x4d: {  	_ =	shalt  }
0x4e: {  	_ =	shalt  }
0x4f: {  	_ =	shalt  }
0x50: {  	_ =	shalt  }
0x51: {  	_ =	shalt  }
0x52: {  	_ =	shalt  }
0x53: {  	_ =	shalt  }
0x54: {  	_ =	shalt  }
0x55: {  	_ =	shalt  }
0x56: {  	_ =	shalt  }
0x57: {  	_ =	shalt  }
0x58: {  	_ =	shalt  }
0x59: {  	_ =	shalt  }
0x5a: {  	_ =	shalt  }
0x5b: {  	_ =	shalt  }
0x5c: {  	_ =	shalt  }
0x5d: {  	_ =	shalt  }
0x5e: {  	_ =	shalt  }
0x5f: {  	_ =	shalt  }
0x60: {  	_ =	shalt  }
0x61: {  	_ =	shalt  }
0x62: {  	_ =	shalt  }
0x63: {  	_ =	shalt  }
0x64: {  	_ =	shalt  }
0x65: {  	_ =	shalt  }
0x66: {  	_ =	shalt  }
0x67: {  	_ =	shalt  }
0x68: {  	_ =	shalt  }
0x69: {  	_ =	shalt  }
0x6a: {  	_ =	shalt  }
0x6b: {  	_ =	shalt  }
0x6c: {  	_ =	shalt  }
0x6d: {  	_ =	shalt  }
0x6e: {  	_ =	shalt  }
0x6f: {  	_ =	shalt  }
0x70: {  	_ =	shalt  }
0x71: {  	_ =	shalt  }
0x72: {  	_ =	shalt  }
0x73: {  	_ =	shalt  }
0x74: {  	_ =	shalt  }
0x75: {  	_ =	shalt  }
0x76: {  	_ =	shalt  }
0x77: {  	_ =	shalt  }
0x78: {  	_ =	shalt  }
0x79: {  	_ =	shalt  }
0x7a: {  	_ =	shalt  }
0x7b: {  	_ =	shalt  }
0x7c: {  	_ =	shalt  }
0x7d: {  	_ =	shalt  }
0x7e: {  	_ =	shalt  }
0x7f: {  	_ =	shalt  }
0x80: {  	_ =	shalt  }
0x81: {  	_ =	shalt  }
0x82: {  	_ =	shalt  }
0x83: {  	_ =	shalt  }
0x84: {  	_ =	shalt  }
0x85: {  	_ =	shalt  }
0x86: {  	_ =	shalt  }
0x87: {  	_ =	shalt  }
.Lfunc_end0:
.L_simem_size_0:
called_computation_lowered:
.L_overlay_start_0:
0x88: {  	s2 =	sld [smem:$0x3FD9]  }
0x89: {  	s3 =	sld [smem:$0x3FFE];
	_ =	sdelay $0x1  }
0x8a: {  	s1 =	srdreg.scid  }
0x8b: {  	s0 =	sand.u32 $0x1, s1  }
0x8c: {  	s17 =	sshll.u32 s0, $0xA;
	s2 =	sadd.s32 s3, s2  }
0x8d: {  	s2 =	sadd.s32 s2, s17  }
0x8e: {  	[smem:$0x3FC4] =	sst s2  }
0x8f: {  	_ = 	snop  }
0x90: {  	s2 =	sld [smem:$0x3FD0];
	(tm) =	ssettm $0x1  }
0x91: {  	s18 =	sld [smem:$0x3FFB];
	_ =	sdelay $0x3  }
0x92: {  	_ =	strace s18  }
0x93: {  	s3 =	sld [smem:$0x3FFC];
	_ =	sdelay $0x3  }
0x94: {  	_ =	strace s3  }
0x95: {  	s3 =	sld [smem:$0x3FFD];
	_ =	sdelay $0x3  }
0x96: {  	_ =	strace s3  }
0x97: {  	_ =	strace $0x8FFFFFFF  }
0x98: {  	s19 =	sld [smem:$0x3FDB];
	_ =	sdelay $0x1  }
0x99: {  	s4 =	simm.s32 $_scs_section_size  }
0x9a: {  	s5 =	simm.s32 $_size__tile_overlayer_lowered;
	s6 =	simm.s32 $_tile_overlayer_lowered  }
0x9b: {  	s22 =	simm.s32 $0x1BFF;
	s21 =	sshll.u32 s6, $0x1;
	s3 =	sadd.s32 s4, s19  }
0x9c: {  	s7 =	simm.s32 $0x0;
	s20 =	sshll.u32 s5, $0x1;
	s5 =	sadd.s32 s21, s3  }
0x9d: {  	[timem:s7], [sflag:s22] =	dma.local [hbm:s5], s20  }
0x9e: {  	_ =	swait.ge [sflag:s22], s20  }
0x9f: {  	s4 =	ssub.s32 $0x0, s20;
	[sflag:s22] =	ssyncset.done $0x0  }
0xa0: {  	[sflag:s22] =	ssyncadd.s32 s4;
	_ =	sdelay $0x1  }
0xa1: {  	s23 =	simm.s32 $0x1B8B  }
0xa2: {  	_ =	swait.ge [sflag:s23], $0x1  }
0xa3: {  	[sflag:s23] =	ssyncset.done $0x0  }
0xa4: {  	s25 =	simm.s32 $0x1B8E;
	s24 =	sld [smem:$0x3FFE];
	[sflag:s23] =	ssyncadd.s32 $0xFFFFFFFF  }
0xa5: {  	s26 =	simm.s32 $execute0_lowered;
	[smem:$0x3FD2] =	sst s25  }
0xa6: {  	s5 =	sshll.u32 s26, $0x1;
	_ =	strace $0x80000046;
	[dreg:$0x1] =	wrdreg $0xFFFFFFFF  }
0xa7: {  	s28 =	simm.s32 $_size_execute0_lowered;
	s3 =	sadd.s32 s3, s5;
	[dreg:$0x0] =	wrdreg $0x0  }
0xa8: {  	s5 =	sshll.u32 s28, $0x1;
	[dreg:$0x2] =	wrdreg s3  }
0xa9: {  	[dreg:$0x3] =	wrdreg s5  }
0xaa: {  	[dreg:$0x4] =	wrdreg $0xC0  }
0xab: {  	_ =	task [dreg:s7], $0x5FFFF  }
0xac: {  	[dreg:$0x1] =	wrdreg $0xFFFFFFFF  }
0xad: {  	[dreg:$0x0] =	wrdreg $0x60  }
0xae: {  	[dreg:$0x2] =	wrdreg s24  }
0xaf: {  	[dreg:$0x3] =	wrdreg s2  }
0xb0: {  	[dreg:$0x4] =	wrdreg $0x9  }
0xb1: {  	_ =	task.clear_ibuf [dreg:s7], $0x5FFFF;
	_ =	strace $0x90000046  }
0xb2: {  	s29 =	simm.s32 $0x9;
	_ =	strace $0x80000048  }
0xb3: {  	_ =	swait.ge [sflag:s29], $0x1  }
0xb4: {  	[sflag:s29] =	ssyncadd.s32 $0xFFFFFFFF  }
0xb5: {  	_ =	strace $0x90000048  }
0xb6: {  	_ =	sfence  }
0xb7: {  	s30 =	sld [smem:$0x0];
	_ =	sdelay $0x2  }
0xb8: {  	s31 =	sshll.u32 s1, $0xD;
	s1 =	sshrl.u32 s1, $0x2  }
0xb9: {  	s3 =	sand.u32 $0x4000, s31;
	s1 =	sadd.s32 s1, s30  }
0xba: {  	s0 =	sor.u32 s3, s0;
	s1 =	sshll.u32 s1, $0x11  }
0xbb: {  	s0 =	sor.u32 s1, s0  }
0xbc: {  	s0 =	sadd.s32 $0x8F2B, s0  }
0xbd: {  	[sflag:s0] =	ssyncadd.remote.s32 $0x1  }
0xbe: {  	_ =	sfence.sel $0xFFFF  }
0xbf: {  	[dreg:$0x0] =	wrdreg $0xFFFFFFFF;
	(pc) =	sbr.abs _section_cstart, $3  }
0xc0: {  	[dreg:$0x1] =	wrdreg $0xFFFFFFFF  }
0xc1: {  	_ =	task.clear_ibuf [dreg:s7], $0x2FFFF;
	_ =	strace $0x9FFFFFFF  }
0xc2: {  	(tm) =	ssettm $0x7FFFFFFF  }
0xc3: {  	_ =	shalt  }
tec
execute0_lowered:
.L_overlay_start_1:
0x0: {  	(tag) =	ssettag $0x1  }
0x1: {  	s7 =	rddreg [dreg:$0x0]  }
0x2: {  	s1 =	rddreg [dreg:$0x1]  }
0x3: {  	s0 =	rddreg [dreg:$0x2];
	s2 =	simm.s32 $0x0  }
0x4: {  	s3 =	srdreg.scid;
	s12 =	simm.s32 $0x8;
	s13 =	simm.s32 $0x18080  }
0x5: {  	s14 =	simm.s32 $0x1;
	s15 =	simm.s32 $0x8000;
	s16 =	simm.s32 $0x10000  }
0x6: {  	s17 =	simm.s32 $0x0;
	[smem:$0x7FF] =	sst s2;
	s4 =	sadd.s32 $0x600, s7  }
0x7: {  	s5 =	sadd.s32 $0x400600, s7;
	s8 =	sand.u32 $0x1, s3;
	s6 =	sadd.s32 $0x800600, s7  }
0x8: {  	s3 =	stileid.u32;
	s7 =	sadd.s32 $0x800800, s7;
	s9 =	ssub.s32 $0x2, s8  }
0x9: {  	s11 =	sshll.u32 s3, $0x12;
	s8 =	sshll.u32 s8, $0x11;
	s10 =	sshrl.u32 s9, $0x1  }
0xa: {  	v0 =	vlaneseq.u32;
	v1 =	vimm.f32 $5.000000000e-01;
	_ =	strace $0x80000047;
	s8 =	sor.u32 s8, s11;
	s9 =	ssub.s32 s9, s10  }
0xb: {  	v0 =	vmul.u32 $0x80, v0;
	v1 =	vand.u32 $0x7FFFFFFF, v1;
	s11 =	simm.s32 $0x2;
	s10 =	simm.s32 $0x18000;
	s9 =	smax.u32 s9, $0x1  }
.LBB2_1:
0xc: {  	[tilespmem:s10], [sflag:$0x2] =	stream.linear.gather [hbm4b:s6+s2], $0x80, $0x38;
	[tilespmem:$0x18480] =	vst v63  }
0xd: {  	_ =	swait.ge [sflag:s11], $0x80  }
0xe: {  	[sflag:s11] =	ssyncset.done $0x0  }
0xf: {  	[sflag:s11] =	ssyncadd.s32 $0xFFFFFF80  }
0x10: {  	[tilespmem:s13], [sflag:$0x1] =	stream.indirect.gather [hbm4b:s1+s12], $0x80, s10, s12, $0xb8;
	[tilespmem:$0x18480] =	vst v63  }
0x11: {  	_ =	swait.ge [sflag:s14], $0x400  }
0x12: {  	[sflag:s14] =	ssyncset.done $0x0  }
0x13: {  	[sflag:s14] =	ssyncadd.s32 $0xFFFFFC00  }
0x14: {  	s18 =	simm.s32 $0x0;
	v2 =	vld [tilespmem:$0x18080]  }
.LBB2_2:
0x15: {  	s19 =	sshll.u32 s18, $0xC  }
0x16: {  	s19 =	sadd.s32 s8, s19  }
0x17: {  	s21 =	simm.s32 $0x0;
	s20 =	sadd.s32 s5, s19  }
0x18: {  	[tilespmem:s15], [sflag:$0x2] =	stream.linear.gather [hbm4b:s20+s21], $0x8000, $0x38;
	[tilespmem:$0x18480] =	vst v63  }
0x19: {  	v3 =	vmov s21;
	_ =	swait.ge [sflag:s11], $0x8000  }
0x1a: {  	v3 =	vshll.u32 v3, $0x7;
	[sflag:s11] =	ssyncset.done $0x0  }
0x1b: {  	s30 =	sadd.s32 s4, s19;
	v3 =	vor.u32 v0, v3;
	[sflag:s11] =	ssyncadd.s32 $0xFFFF8000  }
0x1c: {  	[tilespmem:s21], [sflag:$0x2] =	stream.linear.gather [hbm4b:s30+s21], $0x8000, $0x38;
	[tilespmem:$0x18480] =	vst v63  }
0x1d: {  	_ =	swait.ge [sflag:s11], $0x8000  }
0x1e: {  	[sflag:s11] =	ssyncset.done $0x0  }
0x1f: {  	[sflag:s11] =	ssyncadd.s32 $0xFFFF8000  }
0x20: {  	v4 =	vld.idx.msk [tilespmem:v3+s15+$0x0], $0xffff;
	_ =	sdelay $0x4  }
0x21: {  	v5 =	vmul.f32 $6.366197460e-01, v4;
	_ =	sdelay $0x1  }
0x22: {  	v6 =	vand.u32 $0x80000000, v5  }
0x23: {  	v6 =	vor.u32 v6, v1  }
0x24: {  	v5 =	vadd.f32 v6, v5;
	_ =	sdelay $0x1  }
0x25: {  	v5 =	vtrunc.f32 v5  }
0x26: {  	v5 =	vcvt.f32.s32 v5;
	_ =	sdelay $0x1  }
0x27: {  	v6 =	vcvt.s32.f32 v5;
	_ =	sdelay $0x1  }
0x28: {  	v7 =	vmul.f32 $1.570793150e+00, v6;
	_ =	sdelay $0x1  }
0x29: {  	v8 =	vmul.f32 $3.174939370e-06, v6;
	v7 =	vsub.f32 v4, v7;
	_ =	sdelay $0x1  }
0x2a: {  	v6 =	vmul.f32 $6.217248940e-14, v6;
	v7 =	vsub.f32 v7, v8;
	_ =	sdelay $0x1  }
0x2b: {  	v6 =	vsub.f32 v7, v6;
	_ =	sdelay $0x1  }
0x2c: {  	v7 =	vmul.f32 v6, v6;
	_ =	sdelay $0x1  }
0x2d: {  	v23 =	vmul.f32 $2.476048940e-05, v7;
	_ =	sdelay $0x1  }
0x2e: {  	v9 =	vmul.f32 $1.951529560e-04, v7;
	v8 =	vadd.f32 $-1.388731060e-03, v23;
	_ =	sdelay $0x1  }
0x2f: {  	v9 =	vsub.f32 $8.332161230e-03, v9;
	v8 =	vmul.f32 v8, v7;
	_ =	sdelay $0x1  }
0x30: {  	v9 =	vmul.f32 v9, v7;
	v8 =	vadd.f32 $4.166664560e-02, v8;
	_ =	sdelay $0x1  }
0x31: {  	v9 =	vadd.f32 $-1.666665520e-01, v9;
	v8 =	vmul.f32 v8, v7;
	_ =	sdelay $0x1  }
0x32: {  	v9 =	vmul.f32 v9, v7;
	v8 =	vadd.f32 $-5.000000000e-01, v8;
	_ =	sdelay $0x1  }
0x33: {  	v9 =	vadd.f32 $1.000000000e+00, v9;
	v7 =	vmul.f32 v8, v7;
	_ =	sdelay $0x1  }
0x34: {  	v24 =	vand.u32 $0x1, v5;
	v6 =	vmul.f32 v9, v6;
	v7 =	vadd.f32 $1.000000000e+00, v7  }
0x35: {  	v5 =	vshll.u32 v5, $0x1E;
	vm0 =	veq.s32 v24, $0x0  }
0x36: {  	v25 =	vand.u32 $0x80000000, v5;
	v8 =	vsel vm0, v6, v7  }
0x37: {  	v5 =	vadd.s32 $0x40000000, v5;
	v8 =	vxor.u32 v8, v25  }
0x38: {  	v5 =	vand.u32 $0x80000000, v5;
	v6 =	vsel vm0, v7, v6;
	v7 =	vadd.f32 v8, v8  }
0x39: {  	v26 =	vor.u32 $0x3F, v3;
	v5 =	vxor.u32 v6, v5  }
0x3a: {  	v6 =	vor.u32 $0x42, v3;
	v10 =	vmul.f32 v5, v7;
	v7 =	vmul.f32 v8, v7  }
0x3b: {  	v11 =	vor.u32 $0x45, v3  }
0x3c: {  	v12 =	vor.u32 $0x48, v3;
	v7 =	vsub.f32 $1.000000000e+00, v7;
	v13 =	vadd.f32 v10, v10  }
0x3d: {  	v14 =	vor.u32 $0x4B, v3  }
0x3e: {  	v27 =	vor.u32 $0x4E, v3;
	[tilespmem:v26+s16+$0x0] =	vst.idx.msk $0xffff, v4;
	v4 =	vmul.f32 v7, v13  }
0x3f: {  	[tilespmem:v6+s16+$0x0] =	vst.idx.msk $0xffff, v8;
	v6 =	vor.u32 $0x51, v3;
	v13 =	vmul.f32 v13, v10  }
0x40: {  	v28 =	vor.u32 $0x54, v3;
	[tilespmem:v11+s16+$0x0] =	vst.idx.msk $0xffff, v5;
	v5 =	vadd.f32 v4, v4  }
0x41: {  	v30 =	vor.u32 $0x57, v3;
	[tilespmem:v12+s16+$0x0] =	vst.idx.msk $0xffff, v10;
	v29 =	vsub.f32 $1.000000000e+00, v13  }
0x42: {  	v31 =	vor.u32 $0x1, v3;
	[tilespmem:v14+s16+$0x0] =	vst.idx.msk $0xffff, v7;
	v7 =	vmul.f32 v5, v4  }
0x43: {  	[tilespmem:v27+s16+$0x0] =	vst.idx.msk $0xffff, v4;
	v5 =	vmul.f32 v29, v5  }
0x44: {  	[tilespmem:v6+s16+$0x0] =	vst.idx.msk $0xffff, v29;
	v4 =	vsub.f32 $1.000000000e+00, v7  }
0x45: {  	[tilespmem:v28+s16+$0x0] =	vst.idx.msk $0xffff, v5  }
0x46: {  	[tilespmem:v30+s16+$0x0] =	vst.idx.msk $0xffff, v4  }
0x47: {  	v4 =	vld.idx.msk [tilespmem:v31+s15+$0x0], $0xffff;
	_ =	sdelay $0x4  }
0x48: {  	v5 =	vmul.f32 $6.366197460e-01, v4;
	_ =	sdelay $0x1  }
0x49: {  	v6 =	vand.u32 $0x80000000, v5  }
0x4a: {  	v6 =	vor.u32 v6, v1  }
0x4b: {  	v5 =	vadd.f32 v6, v5;
	_ =	sdelay $0x1  }
0x4c: {  	v5 =	vtrunc.f32 v5  }
0x4d: {  	v5 =	vcvt.f32.s32 v5;
	_ =	sdelay $0x1  }
0x4e: {  	v6 =	vcvt.s32.f32 v5;
	_ =	sdelay $0x1  }
0x4f: {  	v7 =	vmul.f32 $1.570793150e+00, v6;
	_ =	sdelay $0x1  }
0x50: {  	v32 =	vmul.f32 $3.174939370e-06, v6;
	v7 =	vsub.f32 v4, v7;
	_ =	sdelay $0x1  }
0x51: {  	v6 =	vmul.f32 $6.217248940e-14, v6;
	v7 =	vsub.f32 v7, v32;
	_ =	sdelay $0x1  }
0x52: {  	v6 =	vsub.f32 v7, v6;
	_ =	sdelay $0x1  }
0x53: {  	v7 =	vmul.f32 v6, v6;
	_ =	sdelay $0x1  }
0x54: {  	v33 =	vmul.f32 $2.476048940e-05, v7;
	_ =	sdelay $0x1  }
0x55: {  	v34 =	vmul.f32 $1.951529560e-04, v7;
	v8 =	vadd.f32 $-1.388731060e-03, v33;
	_ =	sdelay $0x1  }
0x56: {  	v9 =	vsub.f32 $8.332161230e-03, v34;
	v8 =	vmul.f32 v8, v7;
	_ =	sdelay $0x1  }
0x57: {  	v9 =	vmul.f32 v9, v7;
	v8 =	vadd.f32 $4.166664560e-02, v8;
	_ =	sdelay $0x1  }
0x58: {  	v9 =	vadd.f32 $-1.666665520e-01, v9;
	v8 =	vmul.f32 v8, v7;
	_ =	sdelay $0x1  }
0x59: {  	v9 =	vmul.f32 v9, v7;
	v8 =	vadd.f32 $-5.000000000e-01, v8;
	_ =	sdelay $0x1  }
0x5a: {  	v9 =	vadd.f32 $1.000000000e+00, v9;
	v7 =	vmul.f32 v8, v7;
	_ =	sdelay $0x1  }
0x5b: {  	v35 =	vand.u32 $0x1, v5;
	v6 =	vmul.f32 v9, v6;
	v7 =	vadd.f32 $1.000000000e+00, v7  }
0x5c: {  	v5 =	vshll.u32 v5, $0x1E;
	vm14 =	veq.s32 v35, $0x0  }
0x5d: {  	v36 =	vand.u32 $0x80000000, v5;
	v8 =	vsel vm14, v6, v7  }
0x5e: {  	v5 =	vadd.s32 $0x40000000, v5;
	v8 =	vxor.u32 v8, v36  }
0x5f: {  	v5 =	vand.u32 $0x80000000, v5;
	v6 =	vsel vm14, v7, v6;
	v7 =	vadd.f32 v8, v8  }
0x60: {  	v37 =	vor.u32 $0x40, v3;
	v5 =	vxor.u32 v6, v5  }
0x61: {  	v6 =	vor.u32 $0x43, v3;
	v38 =	vmul.f32 v5, v7;
	v7 =	vmul.f32 v8, v7  }
0x62: {  	v39 =	vor.u32 $0x46, v3  }
0x63: {  	v40 =	vor.u32 $0x49, v3;
	v7 =	vsub.f32 $1.000000000e+00, v7;
	v41 =	vadd.f32 v38, v38  }
0x64: {  	v42 =	vor.u32 $0x4C, v3  }
0x65: {  	[tilespmem:v37+s16+$0x0] =	vst.idx.msk $0xffff, v4;
	v4 =	vor.u32 $0x4F, v3;
	v43 =	vmul.f32 v7, v41  }
0x66: {  	v44 =	vor.u32 $0x52, v3;
	[tilespmem:v6+s16+$0x0] =	vst.idx.msk $0xffff, v8;
	v6 =	vmul.f32 v41, v38  }
0x67: {  	[tilespmem:v39+s16+$0x0] =	vst.idx.msk $0xffff, v5;
	v5 =	vor.u32 $0x55, v3;
	v45 =	vadd.f32 v43, v43  }
0x68: {  	v46 =	vor.u32 $0x58, v3;
	[tilespmem:v40+s16+$0x0] =	vst.idx.msk $0xffff, v38;
	v6 =	vsub.f32 $1.000000000e+00, v6  }
0x69: {  	v47 =	vor.u32 $0x2, v3;
	[tilespmem:v42+s16+$0x0] =	vst.idx.msk $0xffff, v7;
	v7 =	vmul.f32 v45, v43  }
0x6a: {  	[tilespmem:v4+s16+$0x0] =	vst.idx.msk $0xffff, v43;
	v4 =	vmul.f32 v6, v45  }
0x6b: {  	[tilespmem:v44+s16+$0x0] =	vst.idx.msk $0xffff, v6;
	v6 =	vsub.f32 $1.000000000e+00, v7  }
0x6c: {  	[tilespmem:v5+s16+$0x0] =	vst.idx.msk $0xffff, v4  }
0x6d: {  	[tilespmem:v46+s16+$0x0] =	vst.idx.msk $0xffff, v6  }
0x6e: {  	v4 =	vld.idx.msk [tilespmem:v47+s15+$0x0], $0xffff;
	_ =	sdelay $0x4  }
0x6f: {  	v5 =	vmul.f32 $6.366197460e-01, v4;
	_ =	sdelay $0x1  }
0x70: {  	v6 =	vand.u32 $0x80000000, v5  }
0x71: {  	v6 =	vor.u32 v6, v1  }
0x72: {  	v5 =	vadd.f32 v6, v5;
	_ =	sdelay $0x1  }
0x73: {  	v5 =	vtrunc.f32 v5  }
0x74: {  	v5 =	vcvt.f32.s32 v5;
	_ =	sdelay $0x1  }
0x75: {  	v6 =	vcvt.s32.f32 v5;
	_ =	sdelay $0x1  }
0x76: {  	v7 =	vmul.f32 $1.570793150e+00, v6;
	_ =	sdelay $0x1  }
0x77: {  	v48 =	vmul.f32 $3.174939370e-06, v6;
	v7 =	vsub.f32 v4, v7;
	_ =	sdelay $0x1  }
0x78: {  	v6 =	vmul.f32 $6.217248940e-14, v6;
	v7 =	vsub.f32 v7, v48;
	_ =	sdelay $0x1  }
0x79: {  	v6 =	vsub.f32 v7, v6;
	_ =	sdelay $0x1  }
0x7a: {  	v7 =	vmul.f32 v6, v6;
	_ =	sdelay $0x1  }
0x7b: {  	v49 =	vmul.f32 $2.476048940e-05, v7;
	_ =	sdelay $0x1  }
0x7c: {  	v50 =	vmul.f32 $1.951529560e-04, v7;
	v8 =	vadd.f32 $-1.388731060e-03, v49;
	_ =	sdelay $0x1  }
0x7d: {  	v9 =	vsub.f32 $8.332161230e-03, v50;
	v8 =	vmul.f32 v8, v7;
	_ =	sdelay $0x1  }
0x7e: {  	v9 =	vmul.f32 v9, v7;
	v8 =	vadd.f32 $4.166664560e-02, v8;
	_ =	sdelay $0x1  }
0x7f: {  	v9 =	vadd.f32 $-1.666665520e-01, v9;
	v8 =	vmul.f32 v8, v7;
	_ =	sdelay $0x1  }
0x80: {  	v9 =	vmul.f32 v9, v7;
	v8 =	vadd.f32 $-5.000000000e-01, v8;
	_ =	sdelay $0x1  }
0x81: {  	v9 =	vadd.f32 $1.000000000e+00, v9;
	v7 =	vmul.f32 v8, v7;
	_ =	sdelay $0x1  }
0x82: {  	v51 =	vand.u32 $0x1, v5;
	v6 =	vmul.f32 v9, v6;
	v7 =	vadd.f32 $1.000000000e+00, v7  }
0x83: {  	v5 =	vshll.u32 v5, $0x1E;
	vm15 =	veq.s32 v51, $0x0  }
0x84: {  	v53 =	vor.u32 $0x41, v3;
	v52 =	vand.u32 $0x80000000, v5;
	v8 =	vsel vm15, v6, v7  }
0x85: {  	v54 =	vor.u32 $0x44, v3;
	v5 =	vadd.s32 $0x40000000, v5;
	v8 =	vxor.u32 v8, v52  }
0x86: {  	v5 =	vand.u32 $0x80000000, v5;
	v6 =	vsel vm15, v7, v6;
	v7 =	vadd.f32 v8, v8  }
0x87: {  	v5 =	vxor.u32 v6, v5;
	v6 =	vor.u32 $0x47, v3  }
0x88: {  	v56 =	vor.u32 $0x4A, v3;
	v55 =	vmul.f32 v5, v7;
	v7 =	vmul.f32 v8, v7  }
0x89: {  	v57 =	vor.u32 $0x4D, v3  }
0x8a: {  	[tilespmem:v53+s16+$0x0] =	vst.idx.msk $0xffff, v4;
	v4 =	vor.u32 $0x50, v3;
	v7 =	vsub.f32 $1.000000000e+00, v7;
	v58 =	vadd.f32 v55, v55  }
0x8b: {  	[tilespmem:v54+s16+$0x0] =	vst.idx.msk $0xffff, v8  }
0x8c: {  	v61 =	vor.u32 $0x53, v3;
	[tilespmem:v6+s16+$0x0] =	vst.idx.msk $0xffff, v5;
	v59 =	vmul.f32 v7, v58;
	v60 =	vmul.f32 v58, v55  }
0x8d: {  	s31 =	simm.s32 $0x10;
	v6 =	vor.u32 $0x56, v3;
	[tilespmem:v56+s16+$0x0] =	vst.idx.msk $0xffff, v55  }
0x8e: {  	[tilespmem:v57+s16+$0x0] =	vst.idx.msk $0xffff, v7;
	v7 =	vmov s31;
	v5 =	vsub.f32 $1.000000000e+00, v60;
	v62 =	vadd.f32 v59, v59  }
0x8f: {  	v7 =	vshll.u32 v7, $0x7;
	[tilespmem:v4+s16+$0x0] =	vst.idx.msk $0xffff, v59;
	v4 =	vor.u32 $0x59, v3  }
0x90: {  	v3 =	vor.u32 v0, v7;
	v63 =	vmul.f32 v5, v62;
	v8 =	vmul.f32 v62, v59  }
0x91: {  	[tilespmem:v61+s16+$0x0] =	vst.idx.msk $0xffff, v5  }
0x92: {  	s20 =	simm.s32 $0x20;
	v5 =	vsub.f32 $1.000000000e+00, v8;
	[tilespmem:v6+s16+$0x0] =	vst.idx.msk $0xffff, v63  }
.LBB2_3:
0x93: {  	_ = 	snop  }
0x94: {  	p0 =	sne.s32 s20, $0xF0;
	s21 =	smov.u32 s20;
	s20 =	sadd.s32 $0x10, s20;
	[tilespmem:v4+s16+$0x0] =	vst.idx.msk $0xffff, v5  }
0x95: {  	v4 =	vld.idx.msk [tilespmem:v3+s15+$0x0], $0xffff;
	_ =	sdelay $0x5  }
0x96: {  	v5 =	vmul.f32 $6.366197460e-01, v4;
	_ =	sdelay $0x1  }
0x97: {  	v6 =	vand.u32 $0x80000000, v5  }
0x98: {  	v6 =	vor.u32 v6, v1  }
0x99: {  	v5 =	vadd.f32 v6, v5;
	_ =	sdelay $0x1  }
0x9a: {  	v5 =	vtrunc.f32 v5  }
0x9b: {  	v5 =	vcvt.f32.s32 v5;
	_ =	sdelay $0x1  }
0x9c: {  	v6 =	vcvt.s32.f32 v5;
	v7 =	vand.u32 $0x1, v5;
	v5 =	vshll.u32 v5, $0x1E  }
0x9d: {  	v8 =	vadd.s32 $0x40000000, v5  }
0x9e: {  	v9 =	vmul.f32 $1.570793150e+00, v6;
	_ =	sdelay $0x1  }
0x9f: {  	v10 =	vmul.f32 $3.174939370e-06, v6;
	v9 =	vsub.f32 v4, v9;
	_ =	sdelay $0x1  }
0xa0: {  	v6 =	vmul.f32 $6.217248940e-14, v6;
	v9 =	vsub.f32 v9, v10;
	_ =	sdelay $0x1  }
0xa1: {  	v6 =	vsub.f32 v9, v6;
	_ =	sdelay $0x1  }
0xa2: {  	v9 =	vmul.f32 v6, v6;
	_ =	sdelay $0x1  }
0xa3: {  	v10 =	vmul.f32 $1.951529560e-04, v9;
	v11 =	vmul.f32 $2.476048940e-05, v9;
	_ =	sdelay $0x1  }
0xa4: {  	v10 =	vsub.f32 $8.332161230e-03, v10;
	v11 =	vadd.f32 $-1.388731060e-03, v11;
	_ =	sdelay $0x1  }
0xa5: {  	v10 =	vmul.f32 v10, v9;
	v11 =	vmul.f32 v11, v9;
	_ =	sdelay $0x1  }
0xa6: {  	v10 =	vadd.f32 $-1.666665520e-01, v10;
	v11 =	vadd.f32 $4.166664560e-02, v11;
	_ =	sdelay $0x1  }
0xa7: {  	v10 =	vmul.f32 v10, v9;
	v11 =	vmul.f32 v11, v9;
	_ =	sdelay $0x1  }
0xa8: {  	v10 =	vadd.f32 $1.000000000e+00, v10;
	v11 =	vadd.f32 $-5.000000000e-01, v11;
	_ =	sdelay $0x1  }
0xa9: {  	v6 =	vmul.f32 v10, v6;
	v9 =	vmul.f32 v11, v9;
	_ =	sdelay $0x1  }
0xaa: {  	v9 =	vadd.f32 $1.000000000e+00, v9  }
0xab: {  	vm0 =	veq.s32 v7, $0x0  }
0xac: {  	v5 =	vand.u32 $0x80000000, v5;
	v7 =	vsel vm0, v6, v9;
	v6 =	vsel vm0, v9, v6  }
0xad: {  	v5 =	vxor.u32 v7, v5  }
0xae: {  	v7 =	vand.u32 $0x80000000, v8;
	v8 =	vadd.f32 v5, v5  }
0xaf: {  	v9 =	vor.u32 $0x3F, v3;
	v6 =	vxor.u32 v6, v7  }
0xb0: {  	v7 =	vor.u32 $0x42, v3;
	v10 =	vmul.f32 v6, v8;
	v8 =	vmul.f32 v5, v8  }
0xb1: {  	v11 =	vor.u32 $0x45, v3  }
0xb2: {  	v12 =	vor.u32 $0x48, v3;
	v8 =	vsub.f32 $1.000000000e+00, v8;
	v13 =	vadd.f32 v10, v10  }
0xb3: {  	v14 =	vor.u32 $0x4B, v3  }
0xb4: {  	[tilespmem:v9+s16+$0x0] =	vst.idx.msk $0xffff, v4;
	v4 =	vmul.f32 v8, v13;
	v9 =	vmul.f32 v13, v10;
	v13 =	vor.u32 $0x4E, v3  }
0xb5: {  	[tilespmem:v7+s16+$0x0] =	vst.idx.msk $0xffff, v5;
	v5 =	vor.u32 $0x51, v3  }
0xb6: {  	[tilespmem:v11+s16+$0x0] =	vst.idx.msk $0xffff, v6;
	v6 =	vsub.f32 $1.000000000e+00, v9;
	v7 =	vadd.f32 v4, v4;
	v9 =	vor.u32 $0x54, v3  }
0xb7: {  	[tilespmem:v12+s16+$0x0] =	vst.idx.msk $0xffff, v10;
	v10 =	vor.u32 $0x57, v3  }
0xb8: {  	v11 =	vor.u32 $0x1, v3;
	[tilespmem:v14+s16+$0x0] =	vst.idx.msk $0xffff, v8;
	v8 =	vmul.f32 v6, v7;
	v7 =	vmul.f32 v7, v4  }
0xb9: {  	[tilespmem:v13+s16+$0x0] =	vst.idx.msk $0xffff, v4  }
0xba: {  	[tilespmem:v5+s16+$0x0] =	vst.idx.msk $0xffff, v6;
	v4 =	vsub.f32 $1.000000000e+00, v7  }
0xbb: {  	[tilespmem:v9+s16+$0x0] =	vst.idx.msk $0xffff, v8  }
0xbc: {  	[tilespmem:v10+s16+$0x0] =	vst.idx.msk $0xffff, v4  }
0xbd: {  	v4 =	vld.idx.msk [tilespmem:v11+s15+$0x0], $0xffff;
	_ =	sdelay $0x5  }
0xbe: {  	v5 =	vmul.f32 $6.366197460e-01, v4;
	_ =	sdelay $0x1  }
0xbf: {  	v6 =	vand.u32 $0x80000000, v5  }
0xc0: {  	v6 =	vor.u32 v6, v1  }
0xc1: {  	v5 =	vadd.f32 v6, v5;
	_ =	sdelay $0x1  }
0xc2: {  	v5 =	vtrunc.f32 v5  }
0xc3: {  	v5 =	vcvt.f32.s32 v5;
	_ =	sdelay $0x1  }
0xc4: {  	v6 =	vcvt.s32.f32 v5;
	v7 =	vand.u32 $0x1, v5;
	v5 =	vshll.u32 v5, $0x1E  }
0xc5: {  	v8 =	vadd.s32 $0x40000000, v5  }
0xc6: {  	v9 =	vmul.f32 $1.570793150e+00, v6;
	_ =	sdelay $0x1  }
0xc7: {  	v10 =	vmul.f32 $3.174939370e-06, v6;
	v9 =	vsub.f32 v4, v9;
	_ =	sdelay $0x1  }
0xc8: {  	v6 =	vmul.f32 $6.217248940e-14, v6;
	v9 =	vsub.f32 v9, v10;
	_ =	sdelay $0x1  }
0xc9: {  	v6 =	vsub.f32 v9, v6;
	_ =	sdelay $0x1  }
0xca: {  	v9 =	vmul.f32 v6, v6;
	_ =	sdelay $0x1  }
0xcb: {  	v10 =	vmul.f32 $1.951529560e-04, v9;
	v11 =	vmul.f32 $2.476048940e-05, v9;
	_ =	sdelay $0x1  }
0xcc: {  	v10 =	vsub.f32 $8.332161230e-03, v10;
	v11 =	vadd.f32 $-1.388731060e-03, v11;
	_ =	sdelay $0x1  }
0xcd: {  	v10 =	vmul.f32 v10, v9;
	v11 =	vmul.f32 v11, v9;
	_ =	sdelay $0x1  }
0xce: {  	v10 =	vadd.f32 $-1.666665520e-01, v10;
	v11 =	vadd.f32 $4.166664560e-02, v11;
	_ =	sdelay $0x1  }
0xcf: {  	v10 =	vmul.f32 v10, v9;
	v11 =	vmul.f32 v11, v9;
	_ =	sdelay $0x1  }
0xd0: {  	v10 =	vadd.f32 $1.000000000e+00, v10;
	v11 =	vadd.f32 $-5.000000000e-01, v11;
	_ =	sdelay $0x1  }
0xd1: {  	v6 =	vmul.f32 v10, v6;
	v9 =	vmul.f32 v11, v9;
	_ =	sdelay $0x1  }
0xd2: {  	v9 =	vadd.f32 $1.000000000e+00, v9  }
0xd3: {  	vm0 =	veq.s32 v7, $0x0  }
0xd4: {  	v5 =	vand.u32 $0x80000000, v5;
	v7 =	vsel vm0, v6, v9;
	v6 =	vsel vm0, v9, v6  }
0xd5: {  	v5 =	vxor.u32 v7, v5  }
0xd6: {  	v8 =	vand.u32 $0x80000000, v8;
	v7 =	vor.u32 $0x40, v3;
	v9 =	vadd.f32 v5, v5  }
0xd7: {  	v6 =	vxor.u32 v6, v8;
	v8 =	vor.u32 $0x43, v3  }
0xd8: {  	v10 =	vor.u32 $0x46, v3;
	v11 =	vmul.f32 v6, v9;
	v9 =	vmul.f32 v5, v9  }
0xd9: {  	v12 =	vor.u32 $0x49, v3  }
0xda: {  	v13 =	vor.u32 $0x4C, v3;
	v9 =	vsub.f32 $1.000000000e+00, v9;
	v14 =	vadd.f32 v11, v11  }
0xdb: {  	[tilespmem:v7+s16+$0x0] =	vst.idx.msk $0xffff, v4;
	v4 =	vor.u32 $0x4F, v3  }
0xdc: {  	v7 =	vmul.f32 v14, v11;
	[tilespmem:v8+s16+$0x0] =	vst.idx.msk $0xffff, v5;
	v5 =	vmul.f32 v9, v14;
	v8 =	vor.u32 $0x52, v3  }
0xdd: {  	[tilespmem:v10+s16+$0x0] =	vst.idx.msk $0xffff, v6;
	v6 =	vor.u32 $0x55, v3  }
0xde: {  	v7 =	vsub.f32 $1.000000000e+00, v7;
	[tilespmem:v12+s16+$0x0] =	vst.idx.msk $0xffff, v11;
	v10 =	vadd.f32 v5, v5  }
0xdf: {  	[tilespmem:v13+s16+$0x0] =	vst.idx.msk $0xffff, v9;
	v9 =	vor.u32 $0x58, v3  }
0xe0: {  	[tilespmem:v4+s16+$0x0] =	vst.idx.msk $0xffff, v5;
	v4 =	vmul.f32 v7, v10;
	v5 =	vmul.f32 v10, v5;
	v10 =	vor.u32 $0x2, v3  }
0xe1: {  	[tilespmem:v8+s16+$0x0] =	vst.idx.msk $0xffff, v7  }
0xe2: {  	v5 =	vsub.f32 $1.000000000e+00, v5;
	[tilespmem:v6+s16+$0x0] =	vst.idx.msk $0xffff, v4;
	_ =	sdelay $0x1  }
0xe3: {  	[tilespmem:v9+s16+$0x0] =	vst.idx.msk $0xffff, v5  }
0xe4: {  	v4 =	vld.idx.msk [tilespmem:v10+s15+$0x0], $0xffff  }
0xe5: {  	v5 =	vor.u32 $0x41, v3;
	_ =	sdelay $0x4  }
0xe6: {  	[tilespmem:v5+s16+$0x0] =	vst.idx.msk $0xffff, v4;
	v5 =	vmul.f32 $6.366197460e-01, v4;
	_ =	sdelay $0x1  }
0xe7: {  	v6 =	vand.u32 $0x80000000, v5  }
0xe8: {  	v6 =	vor.u32 v6, v1  }
0xe9: {  	v5 =	vadd.f32 v6, v5;
	_ =	sdelay $0x1  }
0xea: {  	v5 =	vtrunc.f32 v5  }
0xeb: {  	v5 =	vcvt.f32.s32 v5;
	_ =	sdelay $0x1  }
0xec: {  	v6 =	vcvt.s32.f32 v5;
	v7 =	vand.u32 $0x1, v5;
	v5 =	vshll.u32 v5, $0x1E  }
0xed: {  	v8 =	vadd.s32 $0x40000000, v5  }
0xee: {  	v9 =	vmul.f32 $1.570793150e+00, v6;
	_ =	sdelay $0x1  }
0xef: {  	v4 =	vsub.f32 v4, v9;
	v9 =	vmul.f32 $3.174939370e-06, v6;
	_ =	sdelay $0x1  }
0xf0: {  	v6 =	vmul.f32 $6.217248940e-14, v6;
	v4 =	vsub.f32 v4, v9;
	_ =	sdelay $0x1  }
0xf1: {  	v4 =	vsub.f32 v4, v6;
	_ =	sdelay $0x1  }
0xf2: {  	v6 =	vmul.f32 v4, v4;
	_ =	sdelay $0x1  }
0xf3: {  	v9 =	vmul.f32 $1.951529560e-04, v6;
	v10 =	vmul.f32 $2.476048940e-05, v6;
	_ =	sdelay $0x1  }
0xf4: {  	v9 =	vsub.f32 $8.332161230e-03, v9;
	v10 =	vadd.f32 $-1.388731060e-03, v10;
	_ =	sdelay $0x1  }
0xf5: {  	v9 =	vmul.f32 v9, v6;
	v10 =	vmul.f32 v10, v6;
	_ =	sdelay $0x1  }
0xf6: {  	v9 =	vadd.f32 $-1.666665520e-01, v9;
	v10 =	vadd.f32 $4.166664560e-02, v10;
	_ =	sdelay $0x1  }
0xf7: {  	v9 =	vmul.f32 v9, v6;
	v10 =	vmul.f32 v10, v6;
	_ =	sdelay $0x1  }
0xf8: {  	v9 =	vadd.f32 $1.000000000e+00, v9;
	v10 =	vadd.f32 $-5.000000000e-01, v10;
	_ =	sdelay $0x1  }
0xf9: {  	v4 =	vmul.f32 v9, v4;
	v6 =	vmul.f32 v10, v6  }
0xfa: {  	v9 =	vor.u32 $0x44, v3  }
0xfb: {  	v6 =	vadd.f32 $1.000000000e+00, v6  }
0xfc: {  	vm0 =	veq.s32 v7, $0x0;
	v7 =	vor.u32 $0x47, v3  }
0xfd: {  	v5 =	vand.u32 $0x80000000, v5;
	v10 =	vsel vm0, v4, v6;
	v4 =	vsel vm0, v6, v4  }
0xfe: {  	v6 =	vor.u32 $0x4A, v3;
	v5 =	vxor.u32 v10, v5  }
0xff: {  	v8 =	vand.u32 $0x80000000, v8;
	[tilespmem:v9+s16+$0x0] =	vst.idx.msk $0xffff, v5;
	v9 =	vadd.f32 v5, v5  }
0x100: {  	v4 =	vxor.u32 v4, v8;
	v8 =	vor.u32 $0x4D, v3  }
0x101: {  	[tilespmem:v7+s16+$0x0] =	vst.idx.msk $0xffff, v4;
	v4 =	vmul.f32 v4, v9;
	v5 =	vmul.f32 v5, v9  }
0x102: {  	v7 =	vor.u32 $0x50, v3  }
0x103: {  	v5 =	vsub.f32 $1.000000000e+00, v5;
	[tilespmem:v6+s16+$0x0] =	vst.idx.msk $0xffff, v4;
	v6 =	vadd.f32 v4, v4;
	_ =	sdelay $0x1  }
0x104: {  	[tilespmem:v8+s16+$0x0] =	vst.idx.msk $0xffff, v5;
	v5 =	vmul.f32 v5, v6;
	v4 =	vmul.f32 v6, v4;
	v6 =	vor.u32 $0x53, v3  }
0x105: {  	v8 =	vor.u32 $0x56, v3  }
.Ltmp0:
0x106: {  	v9 =	vmov s21;
	v10 =	vsub.f32 $1.000000000e+00, v4;
	[tilespmem:v7+s16+$0x0] =	vst.idx.msk $0xffff, v5;
	v7 =	vadd.f32 v5, v5;
	(pc) =	sbr.rel @p0 .LBB2_3-.Ltmp0, $4  }
0x107: {  	v9 =	vshll.u32 v9, $0x7;
	v4 =	vor.u32 $0x59, v3  }
0x108: {  	v3 =	vor.u32 v0, v9;
	v9 =	vmul.f32 v10, v7;
	v5 =	vmul.f32 v7, v5  }
0x109: {  	[tilespmem:v6+s16+$0x0] =	vst.idx.msk $0xffff, v10  }
0x10a: {  	v5 =	vsub.f32 $1.000000000e+00, v5;
	[tilespmem:v8+s16+$0x0] =	vst.idx.msk $0xffff, v9  }
0x10b: {  	_ =	sdelay $0x3  }
0x10c: {  	[tilespmem:v4+s16+$0x0] =	vst.idx.msk $0xffff, v5  }
0x10d: {  	v4 =	vld.idx.msk [tilespmem:v3+s15+$0x0], $0xffff;
	_ =	sdelay $0x4  }
0x10e: {  	v5 =	vmul.f32 $6.366197460e-01, v4;
	_ =	sdelay $0x1  }
0x10f: {  	v6 =	vand.u32 $0x80000000, v5  }
0x110: {  	v6 =	vor.u32 v6, v1  }
0x111: {  	v5 =	vadd.f32 v6, v5;
	_ =	sdelay $0x1  }
0x112: {  	v5 =	vtrunc.f32 v5  }
0x113: {  	v5 =	vcvt.f32.s32 v5;
	_ =	sdelay $0x1  }
0x114: {  	v6 =	vcvt.s32.f32 v5;
	_ =	sdelay $0x1  }
0x115: {  	v7 =	vmul.f32 $1.570793150e+00, v6;
	_ =	sdelay $0x1  }
0x116: {  	v8 =	vmul.f32 $3.174939370e-06, v6;
	v7 =	vsub.f32 v4, v7;
	_ =	sdelay $0x1  }
0x117: {  	v6 =	vmul.f32 $6.217248940e-14, v6;
	v7 =	vsub.f32 v7, v8;
	_ =	sdelay $0x1  }
0x118: {  	v6 =	vsub.f32 v7, v6;
	_ =	sdelay $0x1  }
0x119: {  	v7 =	vmul.f32 v6, v6;
	_ =	sdelay $0x1  }
0x11a: {  	v8 =	vmul.f32 $2.476048940e-05, v7;
	_ =	sdelay $0x1  }
0x11b: {  	v9 =	vmul.f32 $1.951529560e-04, v7;
	v8 =	vadd.f32 $-1.388731060e-03, v8;
	_ =	sdelay $0x1  }
0x11c: {  	v9 =	vsub.f32 $8.332161230e-03, v9;
	v8 =	vmul.f32 v8, v7;
	_ =	sdelay $0x1  }
0x11d: {  	v9 =	vmul.f32 v9, v7;
	v8 =	vadd.f32 $4.166664560e-02, v8;
	_ =	sdelay $0x1  }
0x11e: {  	v9 =	vadd.f32 $-1.666665520e-01, v9;
	v8 =	vmul.f32 v8, v7;
	_ =	sdelay $0x1  }
0x11f: {  	v9 =	vmul.f32 v9, v7;
	v8 =	vadd.f32 $-5.000000000e-01, v8;
	_ =	sdelay $0x1  }
0x120: {  	v9 =	vadd.f32 $1.000000000e+00, v9;
	v7 =	vmul.f32 v8, v7;
	_ =	sdelay $0x1  }
0x121: {  	v8 =	vand.u32 $0x1, v5;
	v6 =	vmul.f32 v9, v6;
	v7 =	vadd.f32 $1.000000000e+00, v7  }
0x122: {  	v5 =	vshll.u32 v5, $0x1E;
	vm0 =	veq.s32 v8, $0x0  }
0x123: {  	v36 =	vand.u32 $0x80000000, v5;
	v8 =	vsel vm0, v6, v7  }
0x124: {  	v5 =	vadd.s32 $0x40000000, v5;
	v8 =	vxor.u32 v8, v36  }
0x125: {  	v5 =	vand.u32 $0x80000000, v5;
	v6 =	vsel vm0, v7, v6;
	v7 =	vadd.f32 v8, v8  }
0x126: {  	v37 =	vor.u32 $0x3F, v3;
	v5 =	vxor.u32 v6, v5  }
0x127: {  	v6 =	vor.u32 $0x42, v3;
	v10 =	vmul.f32 v5, v7;
	v7 =	vmul.f32 v8, v7  }
0x128: {  	v11 =	vor.u32 $0x45, v3  }
0x129: {  	v12 =	vor.u32 $0x48, v3;
	v7 =	vsub.f32 $1.000000000e+00, v7;
	v13 =	vadd.f32 v10, v10  }
0x12a: {  	v14 =	vor.u32 $0x4B, v3  }
0x12b: {  	v38 =	vor.u32 $0x4E, v3;
	[tilespmem:v37+s16+$0x0] =	vst.idx.msk $0xffff, v4;
	v4 =	vmul.f32 v7, v13  }
0x12c: {  	[tilespmem:v6+s16+$0x0] =	vst.idx.msk $0xffff, v8;
	v6 =	vor.u32 $0x51, v3;
	v13 =	vmul.f32 v13, v10  }
0x12d: {  	v8 =	vor.u32 $0x54, v3;
	[tilespmem:v11+s16+$0x0] =	vst.idx.msk $0xffff, v5;
	v5 =	vadd.f32 v4, v4  }
0x12e: {  	v40 =	vor.u32 $0x57, v3;
	[tilespmem:v12+s16+$0x0] =	vst.idx.msk $0xffff, v10;
	v39 =	vsub.f32 $1.000000000e+00, v13  }
0x12f: {  	v41 =	vor.u32 $0x1, v3;
	[tilespmem:v14+s16+$0x0] =	vst.idx.msk $0xffff, v7;
	v7 =	vmul.f32 v5, v4  }
0x130: {  	[tilespmem:v38+s16+$0x0] =	vst.idx.msk $0xffff, v4;
	v5 =	vmul.f32 v39, v5  }
0x131: {  	[tilespmem:v6+s16+$0x0] =	vst.idx.msk $0xffff, v39;
	v4 =	vsub.f32 $1.000000000e+00, v7  }
0x132: {  	[tilespmem:v8+s16+$0x0] =	vst.idx.msk $0xffff, v5  }
0x133: {  	[tilespmem:v40+s16+$0x0] =	vst.idx.msk $0xffff, v4  }
0x134: {  	v4 =	vld.idx.msk [tilespmem:v41+s15+$0x0], $0xffff;
	_ =	sdelay $0x4  }
0x135: {  	v5 =	vmul.f32 $6.366197460e-01, v4;
	_ =	sdelay $0x1  }
0x136: {  	v6 =	vand.u32 $0x80000000, v5  }
0x137: {  	v6 =	vor.u32 v6, v1  }
0x138: {  	v5 =	vadd.f32 v6, v5;
	_ =	sdelay $0x1  }
0x139: {  	v5 =	vtrunc.f32 v5  }
0x13a: {  	v5 =	vcvt.f32.s32 v5;
	_ =	sdelay $0x1  }
0x13b: {  	v6 =	vcvt.s32.f32 v5;
	_ =	sdelay $0x1  }
0x13c: {  	v7 =	vmul.f32 $1.570793150e+00, v6;
	_ =	sdelay $0x1  }
0x13d: {  	v8 =	vmul.f32 $3.174939370e-06, v6;
	v7 =	vsub.f32 v4, v7;
	_ =	sdelay $0x1  }
0x13e: {  	v6 =	vmul.f32 $6.217248940e-14, v6;
	v7 =	vsub.f32 v7, v8;
	_ =	sdelay $0x1  }
0x13f: {  	v6 =	vsub.f32 v7, v6;
	_ =	sdelay $0x1  }
0x140: {  	v7 =	vmul.f32 v6, v6;
	_ =	sdelay $0x1  }
0x141: {  	v8 =	vmul.f32 $2.476048940e-05, v7;
	_ =	sdelay $0x1  }
0x142: {  	v42 =	vmul.f32 $1.951529560e-04, v7;
	v8 =	vadd.f32 $-1.388731060e-03, v8;
	_ =	sdelay $0x1  }
0x143: {  	v9 =	vsub.f32 $8.332161230e-03, v42;
	v8 =	vmul.f32 v8, v7;
	_ =	sdelay $0x1  }
0x144: {  	v9 =	vmul.f32 v9, v7;
	v8 =	vadd.f32 $4.166664560e-02, v8;
	_ =	sdelay $0x1  }
0x145: {  	v9 =	vadd.f32 $-1.666665520e-01, v9;
	v8 =	vmul.f32 v8, v7;
	_ =	sdelay $0x1  }
0x146: {  	v9 =	vmul.f32 v9, v7;
	v8 =	vadd.f32 $-5.000000000e-01, v8;
	_ =	sdelay $0x1  }
0x147: {  	v9 =	vadd.f32 $1.000000000e+00, v9;
	v7 =	vmul.f32 v8, v7;
	_ =	sdelay $0x1  }
0x148: {  	v8 =	vand.u32 $0x1, v5;
	v6 =	vmul.f32 v9, v6;
	v7 =	vadd.f32 $1.000000000e+00, v7  }
0x149: {  	v5 =	vshll.u32 v5, $0x1E;
	vm14 =	veq.s32 v8, $0x0  }
0x14a: {  	v43 =	vand.u32 $0x80000000, v5;
	v8 =	vsel vm14, v6, v7  }
0x14b: {  	v5 =	vadd.s32 $0x40000000, v5;
	v8 =	vxor.u32 v8, v43  }
0x14c: {  	v5 =	vand.u32 $0x80000000, v5;
	v6 =	vsel vm14, v7, v6;
	v7 =	vadd.f32 v8, v8  }
0x14d: {  	v44 =	vor.u32 $0x40, v3;
	v5 =	vxor.u32 v6, v5  }
0x14e: {  	v6 =	vor.u32 $0x43, v3;
	v45 =	vmul.f32 v5, v7;
	v7 =	vmul.f32 v8, v7  }
0x14f: {  	v46 =	vor.u32 $0x46, v3  }
0x150: {  	v47 =	vor.u32 $0x49, v3;
	v7 =	vsub.f32 $1.000000000e+00, v7;
	v48 =	vadd.f32 v45, v45  }
0x151: {  	v49 =	vor.u32 $0x4C, v3  }
0x152: {  	[tilespmem:v44+s16+$0x0] =	vst.idx.msk $0xffff, v4;
	v4 =	vor.u32 $0x4F, v3;
	v50 =	vmul.f32 v7, v48  }
0x153: {  	[tilespmem:v6+s16+$0x0] =	vst.idx.msk $0xffff, v8;
	v8 =	vor.u32 $0x52, v3;
	v6 =	vmul.f32 v48, v45  }
0x154: {  	[tilespmem:v46+s16+$0x0] =	vst.idx.msk $0xffff, v5;
	v5 =	vor.u32 $0x55, v3;
	v51 =	vadd.f32 v50, v50  }
0x155: {  	v52 =	vor.u32 $0x58, v3;
	[tilespmem:v47+s16+$0x0] =	vst.idx.msk $0xffff, v45;
	v6 =	vsub.f32 $1.000000000e+00, v6  }
0x156: {  	v53 =	vor.u32 $0x2, v3;
	[tilespmem:v49+s16+$0x0] =	vst.idx.msk $0xffff, v7;
	v7 =	vmul.f32 v51, v50  }
0x157: {  	[tilespmem:v4+s16+$0x0] =	vst.idx.msk $0xffff, v50;
	v4 =	vmul.f32 v6, v51  }
0x158: {  	[tilespmem:v8+s16+$0x0] =	vst.idx.msk $0xffff, v6;
	v6 =	vsub.f32 $1.000000000e+00, v7  }
0x159: {  	[tilespmem:v5+s16+$0x0] =	vst.idx.msk $0xffff, v4  }
0x15a: {  	[tilespmem:v52+s16+$0x0] =	vst.idx.msk $0xffff, v6  }
0x15b: {  	v4 =	vld.idx.msk [tilespmem:v53+s15+$0x0], $0xffff;
	_ =	sdelay $0x4  }
0x15c: {  	v5 =	vmul.f32 $6.366197460e-01, v4;
	_ =	sdelay $0x1  }
0x15d: {  	v6 =	vand.u32 $0x80000000, v5  }
0x15e: {  	v6 =	vor.u32 v6, v1  }
0x15f: {  	v5 =	vadd.f32 v6, v5;
	_ =	sdelay $0x1  }
0x160: {  	v5 =	vtrunc.f32 v5  }
0x161: {  	v5 =	vcvt.f32.s32 v5;
	_ =	sdelay $0x1  }
0x162: {  	v6 =	vcvt.s32.f32 v5;
	_ =	sdelay $0x1  }
0x163: {  	v7 =	vmul.f32 $1.570793150e+00, v6;
	_ =	sdelay $0x1  }
0x164: {  	v8 =	vmul.f32 $3.174939370e-06, v6;
	v7 =	vsub.f32 v4, v7;
	_ =	sdelay $0x1  }
0x165: {  	v6 =	vmul.f32 $6.217248940e-14, v6;
	v7 =	vsub.f32 v7, v8;
	_ =	sdelay $0x1  }
0x166: {  	v6 =	vsub.f32 v7, v6;
	_ =	sdelay $0x1  }
0x167: {  	v7 =	vmul.f32 v6, v6;
	_ =	sdelay $0x1  }
0x168: {  	v8 =	vmul.f32 $2.476048940e-05, v7;
	_ =	sdelay $0x1  }
0x169: {  	v54 =	vmul.f32 $1.951529560e-04, v7;
	v8 =	vadd.f32 $-1.388731060e-03, v8;
	_ =	sdelay $0x1  }
0x16a: {  	v9 =	vsub.f32 $8.332161230e-03, v54;
	v8 =	vmul.f32 v8, v7;
	_ =	sdelay $0x1  }
0x16b: {  	v9 =	vmul.f32 v9, v7;
	v8 =	vadd.f32 $4.166664560e-02, v8;
	_ =	sdelay $0x1  }
0x16c: {  	v9 =	vadd.f32 $-1.666665520e-01, v9;
	v8 =	vmul.f32 v8, v7;
	_ =	sdelay $0x1  }
0x16d: {  	v9 =	vmul.f32 v9, v7;
	v8 =	vadd.f32 $-5.000000000e-01, v8;
	_ =	sdelay $0x1  }
0x16e: {  	v9 =	vadd.f32 $1.000000000e+00, v9;
	v7 =	vmul.f32 v8, v7;
	_ =	sdelay $0x1  }
0x16f: {  	v8 =	vand.u32 $0x1, v5;
	v6 =	vmul.f32 v9, v6;
	v7 =	vadd.f32 $1.000000000e+00, v7  }
0x170: {  	v5 =	vshll.u32 v5, $0x1E;
	vm15 =	veq.s32 v8, $0x0  }
0x171: {  	v55 =	vand.u32 $0x80000000, v5;
	v8 =	vsel vm15, v6, v7  }
0x172: {  	v5 =	vadd.s32 $0x40000000, v5;
	v8 =	vxor.u32 v8, v55  }
0x173: {  	v5 =	vand.u32 $0x80000000, v5;
	v6 =	vsel vm15, v7, v6;
	v7 =	vadd.f32 v8, v8  }
0x174: {  	v56 =	vor.u32 $0x41, v3;
	v5 =	vxor.u32 v6, v5  }
0x175: {  	v6 =	vor.u32 $0x44, v3;
	v57 =	vmul.f32 v5, v7;
	v7 =	vmul.f32 v8, v7  }
0x176: {  	v58 =	vor.u32 $0x47, v3  }
0x177: {  	v59 =	vor.u32 $0x4A, v3;
	v7 =	vsub.f32 $1.000000000e+00, v7;
	v60 =	vadd.f32 v57, v57  }
0x178: {  	v61 =	vor.u32 $0x4D, v3  }
0x179: {  	[tilespmem:v56+s16+$0x0] =	vst.idx.msk $0xffff, v4;
	v4 =	vor.u32 $0x50, v3;
	v62 =	vmul.f32 v7, v60  }
0x17a: {  	[tilespmem:v6+s16+$0x0] =	vst.idx.msk $0xffff, v8;
	v8 =	vor.u32 $0x53, v3;
	v6 =	vmul.f32 v60, v57  }
0x17b: {  	[tilespmem:v58+s16+$0x0] =	vst.idx.msk $0xffff, v5;
	v5 =	vor.u32 $0x56, v3;
	v63 =	vadd.f32 v62, v62  }
0x17c: {  	v3 =	vor.u32 $0x59, v3;
	[tilespmem:v59+s16+$0x0] =	vst.idx.msk $0xffff, v57;
	v6 =	vsub.f32 $1.000000000e+00, v6  }
0x17d: {  	[tilespmem:v61+s16+$0x0] =	vst.idx.msk $0xffff, v7;
	v7 =	vmul.f32 v63, v62  }
0x17e: {  	[tilespmem:v4+s16+$0x0] =	vst.idx.msk $0xffff, v62;
	v4 =	vmul.f32 v6, v63  }
0x17f: {  	[tilespmem:v8+s16+$0x0] =	vst.idx.msk $0xffff, v6;
	v6 =	vsub.f32 $1.000000000e+00, v7  }
0x180: {  	[tilespmem:v5+s16+$0x0] =	vst.idx.msk $0xffff, v4  }
0x181: {  	s20 =	simm.s32 $0x0;
	[tilespmem:v3+s16+$0x0] =	vst.idx.msk $0xffff, v6  }
0x182: {  	v3 =	vld [tilespmem:s20+$0x20]  }
0x183: {  	v4 =	vld [tilespmem:s20+$0x2F]  }
0x184: {  	v5 =	vld [tilespmem:s20+$0x0]  }
0x185: {  	s21 =	simm.s32 $0x200;
	v6 =	vld [tilespmem:s20+$0x10];
	[tilespmem:s20+$0x1005A] =	vst v2  }
.LBB2_5:
0x186: {  	p0 =	sne.s32 s21, $0x1FE00  }
.Ltmp1:
0x187: {  	s22 =	sshra.s32 s21, $0x2;
	[tilespmem:s20+$0x10020] =	vst v3;
	(pc) =	sbr.rel @p0 .LBB2_5-.Ltmp1, $4  }
0x188: {  	s21 =	sadd.s32 $0x200, s21;
	v3 =	vld [tilespmem:s22+$0x20];
	[tilespmem:s20+$0x1002F] =	vst v4  }
0x189: {  	v4 =	vld [tilespmem:s22+$0x2F];
	[tilespmem:s20+$0x10000] =	vst v5  }
0x18a: {  	v5 =	vld [tilespmem:s22+$0x0];
	[tilespmem:s20+$0x10010] =	vst v6;
	s20 =	smov.u32 s22  }
0x18b: {  	v6 =	vld [tilespmem:s20+$0x10];
	[tilespmem:s20+$0x1005A] =	vst v2  }
0x18c: {  	_ = 	snop  }
0x18d: {  	[tilespmem:s20+$0x10020] =	vst v3  }
0x18e: {  	s18 =	sadd.s32 $0x1, s18;
	[tilespmem:s20+$0x1002F] =	vst v4  }
0x18f: {  	p0 =	sne.s32 s18, $0x20;
	[tilespmem:s20+$0x10000] =	vst v5  }
.Ltmp2:
0x190: {  	s19 =	sadd.s32 s7, s19;
	[tilespmem:s20+$0x10010] =	vst v6;
	(pc) =	sbr.rel @p0 .LBB2_2-.Ltmp2, $4  }
0x191: {  	[hbm4b:s19+s2] =	stream.linear.scatter [tilespmem:s16], [sflag:$0x2], $0x8000, $0x38;
	[tilespmem:$0x18480] =	vst v63  }
0x192: {  	_ =	swait.ge [sflag:s11], $0x8000  }
0x193: {  	[sflag:s11] =	ssyncset.done $0x0  }
0x194: {  	[sflag:s11] =	ssyncadd.s32 $0xFFFF8000  }
0x195: {  	s17 =	sadd.s32 $0x1, s17  }
0x196: {  	p0 =	sne.s32 s17, s9  }
.Ltmp3:
0x197: {  	_ = 	snop;
	(pc) =	sbr.rel @p0 .LBB2_1-.Ltmp3, $1  }
0x198: {  	_ =	sdelay $0x3  }
0x199: {  	_ =	sfence.sel $0x180000  }
0x19a: {  	[bflag:$0x0] =	sbarrier.arrive $0xFFFF  }
0x19b: {  	p0 =	sne.s32 s3, $0x0;
	_ =	strace $0x90000047  }
0x19c: {  	s0 =	sadd.s32 @!p0 $0x100000, s0;
	[bflag:$0x2] =	sbarrier.arrive $0xFFFF  }
0x19d: {  	[sflag:s0] =	ssyncadd.tile.s32 @!p0 $0x1;
	_ =	shalt  }
.Lfunc_end2:
_tile_overlayer_lowered:
.L_overlay_start_2:
0x19e: {  	(tag) =	ssettag $0x2  }
0x19f: {  	s0 =	rddreg [dreg:$0x0];
	s2 =	stileid.u32  }
0x1a0: {  	s1 =	rddreg [dreg:$0x1];
	p0 =	sne.s32 s2, $0x0  }
0x1a1: {  	s3 =	rddreg [dreg:$0x2];
	[bflag:$0x3] =	sbarrier.arrive $0xFFFF;
	s2 =	simm.s32 @!p0 $0x1C02  }
0x1a2: {  	[timem:s3], [sflag:s2] =	dma.local @!p0 [hbm:s0], s1  }
0x1a3: {  	s0 =	simm.s32 @!p0 $0x2  }
0x1a4: {  	_ =	swait.ge @!p0 [sflag:s0], s1  }
0x1a5: {  	s1 =	ssub.s32 @!p0 $0x0, s1;
	[sflag:s0] =	ssyncset.done @!p0 $0x0  }
0x1a6: {  	[sflag:s0] =	ssyncadd.s32 @!p0 s1  }
0x1a7: {  	[bflag:$0x3] =	sbarrier.arrive $0xFFFF  }
0x1a8: {  	_ =	shalt  }

</sc_bundles>
